<compile_context>
chip_gen: v7x
topology: tpu7x:2x2x1
jax: 0.10.2.dev20260603
libtpu: 0.0.44.dev20260713+nightly
codegen_flags: <defaults>
</compile_context>

<pallas_src>
import functools

import jax
import jax.numpy as jnp
from jax import lax
from jax.experimental import pallas as pl
from jax.experimental.pallas import tpu as pltpu
from jax.experimental.pallas import tpu_sc as plsc

B = 16384
L = 50
M = 64
N = B * L
NW = 32
CPW = N // NW
CHUNK = 256
NCH = CPW // CHUNK
BB = CHUNK // 128
MH = M // 8
TWORDS = MH * BB * 8 * 128

_mesh = plsc.VectorSubcoreMesh(core_axis_name="c", subcore_axis_name="s")


@functools.partial(
    pl.kernel,
    mesh=_mesh,
    out_type=jax.ShapeDtypeStruct((L, MH, B // 128, 8, 128), jnp.float32),
    scratch_types=[
        pltpu.VMEM((CPW,), jnp.int32),
        pltpu.VMEM((2, CHUNK, M), jnp.float32),
        pltpu.VMEM((2, MH, BB, 8, 128), jnp.float32),
        pltpu.SemaphoreType.DMA((2,)),
        pltpu.SemaphoreType.DMA((2,)),
    ],
    compiler_params=pltpu.CompilerParams(
        use_tc_tiling_on_sc=False, needs_layout_passes=False
    ),
)
def _emb_gather(z_hbm, table_hbm, out_hbm, idx_v, rows_v, t_v, gsem, osem):
    w = lax.axis_index("s") * 2 + lax.axis_index("c")
    base = w * CPW
    iota = lax.iota(jnp.int32, 16)
    rotc = [jnp.bitwise_and(iota + d, 15) for d in range(16)]
    mhc = [q >> 3 for q in rotc]
    mlc = [jnp.bitwise_and(q, 7) for q in rotc]

    pltpu.sync_copy(z_hbm.at[pl.ds(base, CPW)], idx_v)

    def start_gather(c, buf):
        pltpu.async_copy(
            table_hbm.at[idx_v.at[pl.ds(c * CHUNK, CHUNK)]],
            rows_v.at[buf],
            gsem.at[buf],
        )

    def wait_gather(buf):
        pltpu.make_async_copy(
            table_hbm.at[idx_v.at[pl.ds(0, CHUNK)]], rows_v.at[buf], gsem.at[buf]
        ).wait()

    def wait_writes(buf):
        pltpu.make_async_copy(
            t_v.at[buf], out_hbm.at[0, :, pl.ds(0, BB)], osem.at[buf]
        ).wait()

    start_gather(0, 0)

    def body(c, carry):
        buf = lax.rem(c, 2)
        nbuf = lax.rem(c + 1, 2)
        s = base + c * CHUNK
        l = s // B
        bb0 = lax.rem(s, B) // 128

        @pl.when(c + 1 < NCH)
        def _():
            start_gather(c + 1, nbuf)

        wait_gather(buf)

        @pl.when(lax.rem(s, B) == 0)
        def _():
            for j in range(M // 16):
                rows_v[buf, 0, pl.ds(j * 16, 16)] = jnp.zeros((16,), jnp.float32)

        @pl.when(c >= 2)
        def _():
            wait_writes(buf)

        bufvec = jnp.full((16,), buf, jnp.int32)

        def tbody(sb, tc):
            b16 = sb // 4
            cb = lax.rem(sb, 4)
            rowvec = iota + b16 * 16
            bbvec = jnp.full((16,), b16 // 8, jnp.int32)
            blvec = iota + lax.rem(b16, 8) * 16
            mh0 = cb * 2
            c0 = cb * 16
            for d in range(16):
                v = plsc.load_gather(rows_v, [bufvec, rowvec, rotc[d] + c0])
                plsc.store_scatter(
                    t_v, [bufvec, mhc[d] + mh0, bbvec, mlc[d], blvec], v
                )
            return tc

        lax.fori_loop(0, 16 * 4, tbody, 0)

        for mh in range(MH):
            pltpu.async_copy(
                t_v.at[buf, mh],
                out_hbm.at[l, mh, pl.ds(bb0, BB)],
                osem.at[buf],
            )
        return carry

    lax.fori_loop(0, NCH, body, 0)
    wait_writes(0)
    wait_writes(1)


def kernel(y, table):
    y32 = y.astype(jnp.int32)
    zt = jnp.concatenate([jnp.zeros((1, L), jnp.int32), y32[: B - 1]], axis=0)
    zt = zt.T.reshape(-1)
    out5 = _emb_gather(zt, table)
    return out5.transpose(2, 4, 0, 1, 3).reshape(B, L, M)

# --- scband reference (transcript-rebuilt; emitter-appended) ---
"""Pipeline reference for scband-my-embedding-35089882808547 (READ-ONLY COPY).

The authoritative reference and input builder live on the scoring server;
editing this copy changes nothing except your own understanding.
"""

import jax, jax.numpy as jnp
import numpy as np

K = 1000000
M = 64
B = 16384
L = 50

def setup_inputs(seed: int = 0) -> dict:
    key = jax.random.key(seed)
    k1, k2 = jax.random.split(key)
    y = jax.random.randint(k1, (B, L), 0, K, dtype=jnp.int64)
    table = jax.random.normal(k2, (K, M), dtype=jnp.float32) * 0.02
    return {"y": y, "table": table}

def reference(y, table):
    # torch: y.sum() < 0 branch never taken for non-negative indices
    emb = jnp.take(table, y, axis=0)  # [B, L, M]
    # emb is 3D -> shift along batch dim: emb_shifted[1:] = emb[:-1]
    emb_shifted = jnp.zeros_like(emb).at[1:].set(emb[:-1])
    return emb_shifted

if __name__ == "__main__":
    import jax
    _d = setup_inputs()
    print(jax.jit(kernel)(*tuple(_d.values())))

</pallas_src>

<mosaic_0001>
#map = affine_map<(d0, d1) -> (0)>
#map1 = affine_map<(d0, d1) -> (0, 0)>
#map2 = affine_map<(d0, d1) -> (0, 0, 0, 0, 0)>
module attributes {stable_mosaic.version = 14 : i64} {
  func.func @_emb_gather(%arg0: i32, %arg1: i32, %arg2: memref<819200xi32, #tpu.memory_space<hbm>>, %arg3: memref<1000000x64xf32, #tpu.memory_space<hbm>>, %arg4: memref<50x8x128x8x128xf32, #tpu.memory_space<hbm>>, %arg5: memref<25600xi32, #tpu.memory_space<vmem>>, %arg6: memref<2x256x64xf32, #tpu.memory_space<vmem>>, %arg7: memref<2x8x2x8x128xf32, #tpu.memory_space<vmem>>, %arg8: memref<2x!tpu.dma_semaphore, #tpu.memory_space<semaphore_mem>>, %arg9: memref<2x!tpu.dma_semaphore, #tpu.memory_space<semaphore_mem>>) attributes {dimension_semantics = [#tpu.dimension_semantics<core_parallel>, #tpu.dimension_semantics<subcore_parallel>], iteration_bounds = array<i64: 2, 16>, scalar_prefetch = 0 : i64, scratch_operands = 5 : i64, tpu.core_type = #tpu.core_type<sc_vector_subcore>, window_params = [{transform_indices = #map}, {transform_indices = #map1}, {transform_indices = #map2}]} {
    %mul3A = arith.constant 2 : i32
    %mul3A_0 = arith.muli %arg1, %mul3A : i32
    %add3A = arith.addi %mul3A_0, %arg0 : i32
    %mul3A_1 = arith.constant 25600 : i32
    %mul3A_2 = arith.muli %add3A, %mul3A_1 : i32
    %iota3A = tpu.iota {dimensions = array<i32: 0>} : vector<16xi32>
    %add3A_3 = arith.constant 0 : i32
    %add3A_4 = vector.broadcast %add3A_3 : i32 to vector<16xi32>
    %add3A_5 = arith.addi %iota3A, %add3A_4 : vector<16xi32>
    %and3A = arith.constant 15 : i32
    %and3A_6 = vector.broadcast %and3A : i32 to vector<16xi32>
    %and3A_7 = arith.andi %add3A_5, %and3A_6 : vector<16xi32>
    %add3A_8 = arith.constant 1 : i32
    %add3A_9 = vector.broadcast %add3A_8 : i32 to vector<16xi32>
    %add3A_10 = arith.addi %iota3A, %add3A_9 : vector<16xi32>
    %and3A_11 = arith.constant 15 : i32
    %and3A_12 = vector.broadcast %and3A_11 : i32 to vector<16xi32>
    %and3A_13 = arith.andi %add3A_10, %and3A_12 : vector<16xi32>
    %add3A_14 = arith.constant 2 : i32
    %add3A_15 = vector.broadcast %add3A_14 : i32 to vector<16xi32>
    %add3A_16 = arith.addi %iota3A, %add3A_15 : vector<16xi32>
    %and3A_17 = arith.constant 15 : i32
    %and3A_18 = vector.broadcast %and3A_17 : i32 to vector<16xi32>
    %and3A_19 = arith.andi %add3A_16, %and3A_18 : vector<16xi32>
    %add3A_20 = arith.constant 3 : i32
    %add3A_21 = vector.broadcast %add3A_20 : i32 to vector<16xi32>
    %add3A_22 = arith.addi %iota3A, %add3A_21 : vector<16xi32>
    %and3A_23 = arith.constant 15 : i32
    %and3A_24 = vector.broadcast %and3A_23 : i32 to vector<16xi32>
    %and3A_25 = arith.andi %add3A_22, %and3A_24 : vector<16xi32>
    %add3A_26 = arith.constant 4 : i32
    %add3A_27 = vector.broadcast %add3A_26 : i32 to vector<16xi32>
    %add3A_28 = arith.addi %iota3A, %add3A_27 : vector<16xi32>
    %and3A_29 = arith.constant 15 : i32
    %and3A_30 = vector.broadcast %and3A_29 : i32 to vector<16xi32>
    %and3A_31 = arith.andi %add3A_28, %and3A_30 : vector<16xi32>
    %add3A_32 = arith.constant 5 : i32
    %add3A_33 = vector.broadcast %add3A_32 : i32 to vector<16xi32>
    %add3A_34 = arith.addi %iota3A, %add3A_33 : vector<16xi32>
    %and3A_35 = arith.constant 15 : i32
    %and3A_36 = vector.broadcast %and3A_35 : i32 to vector<16xi32>
    %and3A_37 = arith.andi %add3A_34, %and3A_36 : vector<16xi32>
    %add3A_38 = arith.constant 6 : i32
    %add3A_39 = vector.broadcast %add3A_38 : i32 to vector<16xi32>
    %add3A_40 = arith.addi %iota3A, %add3A_39 : vector<16xi32>
    %and3A_41 = arith.constant 15 : i32
    %and3A_42 = vector.broadcast %and3A_41 : i32 to vector<16xi32>
    %and3A_43 = arith.andi %add3A_40, %and3A_42 : vector<16xi32>
    %add3A_44 = arith.constant 7 : i32
    %add3A_45 = vector.broadcast %add3A_44 : i32 to vector<16xi32>
    %add3A_46 = arith.addi %iota3A, %add3A_45 : vector<16xi32>
    %and3A_47 = arith.constant 15 : i32
    %and3A_48 = vector.broadcast %and3A_47 : i32 to vector<16xi32>
    %and3A_49 = arith.andi %add3A_46, %and3A_48 : vector<16xi32>
    %add3A_50 = arith.constant 8 : i32
    %add3A_51 = vector.broadcast %add3A_50 : i32 to vector<16xi32>
    %add3A_52 = arith.addi %iota3A, %add3A_51 : vector<16xi32>
    %and3A_53 = arith.constant 15 : i32
    %and3A_54 = vector.broadcast %and3A_53 : i32 to vector<16xi32>
    %and3A_55 = arith.andi %add3A_52, %and3A_54 : vector<16xi32>
    %add3A_56 = arith.constant 9 : i32
    %add3A_57 = vector.broadcast %add3A_56 : i32 to vector<16xi32>
    %add3A_58 = arith.addi %iota3A, %add3A_57 : vector<16xi32>
    %and3A_59 = arith.constant 15 : i32
    %and3A_60 = vector.broadcast %and3A_59 : i32 to vector<16xi32>
    %and3A_61 = arith.andi %add3A_58, %and3A_60 : vector<16xi32>
    %add3A_62 = arith.constant 10 : i32
    %add3A_63 = vector.broadcast %add3A_62 : i32 to vector<16xi32>
    %add3A_64 = arith.addi %iota3A, %add3A_63 : vector<16xi32>
    %and3A_65 = arith.constant 15 : i32
    %and3A_66 = vector.broadcast %and3A_65 : i32 to vector<16xi32>
    %and3A_67 = arith.andi %add3A_64, %and3A_66 : vector<16xi32>
    %add3A_68 = arith.constant 11 : i32
    %add3A_69 = vector.broadcast %add3A_68 : i32 to vector<16xi32>
    %add3A_70 = arith.addi %iota3A, %add3A_69 : vector<16xi32>
    %and3A_71 = arith.constant 15 : i32
    %and3A_72 = vector.broadcast %and3A_71 : i32 to vector<16xi32>
    %and3A_73 = arith.andi %add3A_70, %and3A_72 : vector<16xi32>
    %add3A_74 = arith.constant 12 : i32
    %add3A_75 = vector.broadcast %add3A_74 : i32 to vector<16xi32>
    %add3A_76 = arith.addi %iota3A, %add3A_75 : vector<16xi32>
    %and3A_77 = arith.constant 15 : i32
    %and3A_78 = vector.broadcast %and3A_77 : i32 to vector<16xi32>
    %and3A_79 = arith.andi %add3A_76, %and3A_78 : vector<16xi32>
    %add3A_80 = arith.constant 13 : i32
    %add3A_81 = vector.broadcast %add3A_80 : i32 to vector<16xi32>
    %add3A_82 = arith.addi %iota3A, %add3A_81 : vector<16xi32>
    %and3A_83 = arith.constant 15 : i32
    %and3A_84 = vector.broadcast %and3A_83 : i32 to vector<16xi32>
    %and3A_85 = arith.andi %add3A_82, %and3A_84 : vector<16xi32>
    %add3A_86 = arith.constant 14 : i32
    %add3A_87 = vector.broadcast %add3A_86 : i32 to vector<16xi32>
    %add3A_88 = arith.addi %iota3A, %add3A_87 : vector<16xi32>
    %and3A_89 = arith.constant 15 : i32
    %and3A_90 = vector.broadcast %and3A_89 : i32 to vector<16xi32>
    %and3A_91 = arith.andi %add3A_88, %and3A_90 : vector<16xi32>
    %add3A_92 = arith.constant 15 : i32
    %add3A_93 = vector.broadcast %add3A_92 : i32 to vector<16xi32>
    %add3A_94 = arith.addi %iota3A, %add3A_93 : vector<16xi32>
    %and3A_95 = arith.constant 15 : i32
    %and3A_96 = vector.broadcast %and3A_95 : i32 to vector<16xi32>
    %and3A_97 = arith.andi %add3A_94, %and3A_96 : vector<16xi32>
    %shift_right_arithmetic3A = arith.constant 3 : i32
    %shift_right_arithmetic3A_98 = vector.broadcast %shift_right_arithmetic3A : i32 to vector<16xi32>
    %shift_right_arithmetic3A_99 = arith.shrsi %and3A_7, %shift_right_arithmetic3A_98 : vector<16xi32>
    %shift_right_arithmetic3A_100 = arith.constant 3 : i32
    %shift_right_arithmetic3A_101 = vector.broadcast %shift_right_arithmetic3A_100 : i32 to vector<16xi32>
    %shift_right_arithmetic3A_102 = arith.shrsi %and3A_13, %shift_right_arithmetic3A_101 : vector<16xi32>
    %shift_right_arithmetic3A_103 = arith.constant 3 : i32
    %shift_right_arithmetic3A_104 = vector.broadcast %shift_right_arithmetic3A_103 : i32 to vector<16xi32>
    %shift_right_arithmetic3A_105 = arith.shrsi %and3A_19, %shift_right_arithmetic3A_104 : vector<16xi32>
    %shift_right_arithmetic3A_106 = arith.constant 3 : i32
    %shift_right_arithmetic3A_107 = vector.broadcast %shift_right_arithmetic3A_106 : i32 to vector<16xi32>
    %shift_right_arithmetic3A_108 = arith.shrsi %and3A_25, %shift_right_arithmetic3A_107 : vector<16xi32>
    %shift_right_arithmetic3A_109 = arith.constant 3 : i32
    %shift_right_arithmetic3A_110 = vector.broadcast %shift_right_arithmetic3A_109 : i32 to vector<16xi32>
    %shift_right_arithmetic3A_111 = arith.shrsi %and3A_31, %shift_right_arithmetic3A_110 : vector<16xi32>
    %shift_right_arithmetic3A_112 = arith.constant 3 : i32
    %shift_right_arithmetic3A_113 = vector.broadcast %shift_right_arithmetic3A_112 : i32 to vector<16xi32>
    %shift_right_arithmetic3A_114 = arith.shrsi %and3A_37, %shift_right_arithmetic3A_113 : vector<16xi32>
    %shift_right_arithmetic3A_115 = arith.constant 3 : i32
    %shift_right_arithmetic3A_116 = vector.broadcast %shift_right_arithmetic3A_115 : i32 to vector<16xi32>
    %shift_right_arithmetic3A_117 = arith.shrsi %and3A_43, %shift_right_arithmetic3A_116 : vector<16xi32>
    %shift_right_arithmetic3A_118 = arith.constant 3 : i32
    %shift_right_arithmetic3A_119 = vector.broadcast %shift_right_arithmetic3A_118 : i32 to vector<16xi32>
    %shift_right_arithmetic3A_120 = arith.shrsi %and3A_49, %shift_right_arithmetic3A_119 : vector<16xi32>
    %shift_right_arithmetic3A_121 = arith.constant 3 : i32
    %shift_right_arithmetic3A_122 = vector.broadcast %shift_right_arithmetic3A_121 : i32 to vector<16xi32>
    %shift_right_arithmetic3A_123 = arith.shrsi %and3A_55, %shift_right_arithmetic3A_122 : vector<16xi32>
    %shift_right_arithmetic3A_124 = arith.constant 3 : i32
    %shift_right_arithmetic3A_125 = vector.broadcast %shift_right_arithmetic3A_124 : i32 to vector<16xi32>
    %shift_right_arithmetic3A_126 = arith.shrsi %and3A_61, %shift_right_arithmetic3A_125 : vector<16xi32>
    %shift_right_arithmetic3A_127 = arith.constant 3 : i32
    %shift_right_arithmetic3A_128 = vector.broadcast %shift_right_arithmetic3A_127 : i32 to vector<16xi32>
    %shift_right_arithmetic3A_129 = arith.shrsi %and3A_67, %shift_right_arithmetic3A_128 : vector<16xi32>
    %shift_right_arithmetic3A_130 = arith.constant 3 : i32
    %shift_right_arithmetic3A_131 = vector.broadcast %shift_right_arithmetic3A_130 : i32 to vector<16xi32>
    %shift_right_arithmetic3A_132 = arith.shrsi %and3A_73, %shift_right_arithmetic3A_131 : vector<16xi32>
    %shift_right_arithmetic3A_133 = arith.constant 3 : i32
    %shift_right_arithmetic3A_134 = vector.broadcast %shift_right_arithmetic3A_133 : i32 to vector<16xi32>
    %shift_right_arithmetic3A_135 = arith.shrsi %and3A_79, %shift_right_arithmetic3A_134 : vector<16xi32>
    %shift_right_arithmetic3A_136 = arith.constant 3 : i32
    %shift_right_arithmetic3A_137 = vector.broadcast %shift_right_arithmetic3A_136 : i32 to vector<16xi32>
    %shift_right_arithmetic3A_138 = arith.shrsi %and3A_85, %shift_right_arithmetic3A_137 : vector<16xi32>
    %shift_right_arithmetic3A_139 = arith.constant 3 : i32
    %shift_right_arithmetic3A_140 = vector.broadcast %shift_right_arithmetic3A_139 : i32 to vector<16xi32>
    %shift_right_arithmetic3A_141 = arith.shrsi %and3A_91, %shift_right_arithmetic3A_140 : vector<16xi32>
    %shift_right_arithmetic3A_142 = arith.constant 3 : i32
    %shift_right_arithmetic3A_143 = vector.broadcast %shift_right_arithmetic3A_142 : i32 to vector<16xi32>
    %shift_right_arithmetic3A_144 = arith.shrsi %and3A_97, %shift_right_arithmetic3A_143 : vector<16xi32>
    %and3A_145 = arith.constant 7 : i32
    %and3A_146 = vector.broadcast %and3A_145 : i32 to vector<16xi32>
    %and3A_147 = arith.andi %and3A_7, %and3A_146 : vector<16xi32>
    %and3A_148 = arith.constant 7 : i32
    %and3A_149 = vector.broadcast %and3A_148 : i32 to vector<16xi32>
    %and3A_150 = arith.andi %and3A_13, %and3A_149 : vector<16xi32>
    %and3A_151 = arith.constant 7 : i32
    %and3A_152 = vector.broadcast %and3A_151 : i32 to vector<16xi32>
    %and3A_153 = arith.andi %and3A_19, %and3A_152 : vector<16xi32>
    %and3A_154 = arith.constant 7 : i32
    %and3A_155 = vector.broadcast %and3A_154 : i32 to vector<16xi32>
    %and3A_156 = arith.andi %and3A_25, %and3A_155 : vector<16xi32>
    %and3A_157 = arith.constant 7 : i32
    %and3A_158 = vector.broadcast %and3A_157 : i32 to vector<16xi32>
    %and3A_159 = arith.andi %and3A_31, %and3A_158 : vector<16xi32>
    %and3A_160 = arith.constant 7 : i32
    %and3A_161 = vector.broadcast %and3A_160 : i32 to vector<16xi32>
    %and3A_162 = arith.andi %and3A_37, %and3A_161 : vector<16xi32>
    %and3A_163 = arith.constant 7 : i32
    %and3A_164 = vector.broadcast %and3A_163 : i32 to vector<16xi32>
    %and3A_165 = arith.andi %and3A_43, %and3A_164 : vector<16xi32>
    %and3A_166 = arith.constant 7 : i32
    %and3A_167 = vector.broadcast %and3A_166 : i32 to vector<16xi32>
    %and3A_168 = arith.andi %and3A_49, %and3A_167 : vector<16xi32>
    %and3A_169 = arith.constant 7 : i32
    %and3A_170 = vector.broadcast %and3A_169 : i32 to vector<16xi32>
    %and3A_171 = arith.andi %and3A_55, %and3A_170 : vector<16xi32>
    %and3A_172 = arith.constant 7 : i32
    %and3A_173 = vector.broadcast %and3A_172 : i32 to vector<16xi32>
    %and3A_174 = arith.andi %and3A_61, %and3A_173 : vector<16xi32>
    %and3A_175 = arith.constant 7 : i32
    %and3A_176 = vector.broadcast %and3A_175 : i32 to vector<16xi32>
    %and3A_177 = arith.andi %and3A_67, %and3A_176 : vector<16xi32>
    %and3A_178 = arith.constant 7 : i32
    %and3A_179 = vector.broadcast %and3A_178 : i32 to vector<16xi32>
    %and3A_180 = arith.andi %and3A_73, %and3A_179 : vector<16xi32>
    %and3A_181 = arith.constant 7 : i32
    %and3A_182 = vector.broadcast %and3A_181 : i32 to vector<16xi32>
    %and3A_183 = arith.andi %and3A_79, %and3A_182 : vector<16xi32>
    %and3A_184 = arith.constant 7 : i32
    %and3A_185 = vector.broadcast %and3A_184 : i32 to vector<16xi32>
    %and3A_186 = arith.andi %and3A_85, %and3A_185 : vector<16xi32>
    %and3A_187 = arith.constant 7 : i32
    %and3A_188 = vector.broadcast %and3A_187 : i32 to vector<16xi32>
    %and3A_189 = arith.andi %and3A_91, %and3A_188 : vector<16xi32>
    %and3A_190 = arith.constant 7 : i32
    %and3A_191 = vector.broadcast %and3A_190 : i32 to vector<16xi32>
    %and3A_192 = arith.andi %and3A_97, %and3A_191 : vector<16xi32>
    "tpu.region"() ({
      %run_scoped3A = tpu.sem_alloc : memref<!tpu.dma_semaphore, #tpu.memory_space<semaphore_mem>>
      %dma_start3A_267 = tpu.memref_slice %arg2[%mul3A_2] : memref<819200xi32, #tpu.memory_space<hbm>> -> memref<25600xi32, #tpu.memory_space<hbm>>
      %dma_start3A_268 = tpu.memref_slice %arg2[%mul3A_2] : memref<819200xi32, #tpu.memory_space<hbm>> -> memref<25600xi32, #tpu.memory_space<hbm>>
      tpu.enqueue_dma source(%dma_start3A_268 : memref<25600xi32, #tpu.memory_space<hbm>>) target(%arg5 : memref<25600xi32, #tpu.memory_space<vmem>>) target_semaphore(%run_scoped3A : memref<!tpu.dma_semaphore, #tpu.memory_space<semaphore_mem>>)
      %dma_wait3A_269 = tpu.memref_slice %arg2[%mul3A_2] : memref<819200xi32, #tpu.memory_space<hbm>> -> memref<25600xi32, #tpu.memory_space<hbm>>
      %dma_wait3A_270 = tpu.memref_slice %arg2[%mul3A_2] : memref<819200xi32, #tpu.memory_space<hbm>> -> memref<25600xi32, #tpu.memory_space<hbm>>
      tpu.wait_dma2 semaphore(%run_scoped3A : memref<!tpu.dma_semaphore, #tpu.memory_space<semaphore_mem>>) src(%dma_wait3A_270 : memref<25600xi32, #tpu.memory_space<hbm>>) dst(%arg5 : memref<25600xi32, #tpu.memory_space<vmem>>)
      tpu.yield
    }) : () -> ()
    %dma_start3A = arith.constant 0 : i32
    %dma_start3A_193 = arith.constant 0 : i32
    %dma_start3A_194 = arith.constant 0 : i32
    %dma_start3A_195 = arith.constant 0 : i32
    %dma_start3A_196 = tpu.memref_slice %arg6[%dma_start3A, %dma_start3A_194, %dma_start3A_195] : memref<2x256x64xf32, #tpu.memory_space<vmem>> -> memref<1x256x64xf32, #tpu.memory_space<vmem>>
    %dma_start3A_197 = tpu.memref_squeeze %dma_start3A_196 : memref<1x256x64xf32, #tpu.memory_space<vmem>> -> memref<256x64xf32, #tpu.memory_space<vmem>>
    %dma_start3A_198 = arith.constant 0 : i32
    %dma_start3A_199 = tpu.memref_slice %arg5[%dma_start3A_198] : memref<25600xi32, #tpu.memory_space<vmem>> -> memref<256xi32, #tpu.memory_space<vmem>>
    %dma_start3A_200 = arith.constant 0 : i32
    %dma_start3A_201 = arith.constant 0 : i32
    %dma_start3A_202 = tpu.memref_slice %arg3[%dma_start3A_200, %dma_start3A_201] : memref<1000000x64xf32, #tpu.memory_space<hbm>> -> memref<1000000x64xf32, #tpu.memory_space<hbm>>
    %dma_start3A_203 = tpu.memref_slice %arg8[%dma_start3A_193] : memref<2x!tpu.dma_semaphore, #tpu.memory_space<semaphore_mem>> -> memref<1x!tpu.dma_semaphore, #tpu.memory_space<semaphore_mem>>
    %dma_start3A_204 = tpu.memref_squeeze %dma_start3A_203 : memref<1x!tpu.dma_semaphore, #tpu.memory_space<semaphore_mem>> -> memref<!tpu.dma_semaphore, #tpu.memory_space<semaphore_mem>>
    tpu.enqueue_indirect_dma source(%dma_start3A_202 : memref<1000000x64xf32, #tpu.memory_space<hbm>>) target(%dma_start3A_197 : memref<256x64xf32, #tpu.memory_space<vmem>>) offsets(%dma_start3A_199 : memref<256xi32, #tpu.memory_space<vmem>>) semaphore(%dma_start3A_204 : memref<!tpu.dma_semaphore, #tpu.memory_space<semaphore_mem>>)
    %scan3A = arith.constant 0 : i32
    %scan3A_205 = arith.constant 0 : i32
    %scan3A_206 = arith.constant 100 : i32
    %scan3A_207 = arith.addi %scan3A_205, %scan3A_206 : i32
    %scan3A_208 = arith.constant 1 : i32
    scf.for %scan3A_267 = %scan3A_205 to %scan3A_207 step %scan3A_208  : i32 {
      %rem3A = arith.constant 2 : i32
      %rem3A_268 = arith.remsi %scan3A_267, %rem3A : i32
      %add3A_269 = arith.constant 1 : i32
      %add3A_270 = arith.addi %scan3A_267, %add3A_269 : i32
      %rem3A_271 = arith.constant 2 : i32
      %rem3A_272 = arith.remsi %add3A_270, %rem3A_271 : i32
      %mul3A_273 = arith.constant 256 : i32
      %mul3A_274 = arith.muli %scan3A_267, %mul3A_273 : i32
      %add3A_275 = arith.addi %mul3A_2, %mul3A_274 : i32
      %jit3A = arith.constant 16384 : i32
      %div3A = arith.divsi %add3A_275, %jit3A : i32
      %sign3A = arith.constant 0 : i32
      %sign3A_276 = arith.cmpi sgt, %add3A_275, %sign3A : i32
      %sign3A_277 = arith.extui %sign3A_276 : i1 to i32
      %sign3A_278 = arith.constant 0 : i32
      %sign3A_279 = arith.cmpi slt, %add3A_275, %sign3A_278 : i32
      %sign3A_280 = arith.extui %sign3A_279 : i1 to i32
      %sign3A_281 = arith.subi %sign3A_277, %sign3A_280 : i32
      %sign3A_282 = arith.constant 0 : i32
      %sign3A_283 = arith.cmpi sgt, %jit3A, %sign3A_282 : i32
      %sign3A_284 = arith.extui %sign3A_283 : i1 to i32
      %sign3A_285 = arith.constant 0 : i32
      %sign3A_286 = arith.cmpi slt, %jit3A, %sign3A_285 : i32
      %sign3A_287 = arith.extui %sign3A_286 : i1 to i32
      %sign3A_288 = arith.subi %sign3A_284, %sign3A_287 : i32
      %ne3A = arith.cmpi ne, %sign3A_281, %sign3A_288 : i32
      %rem3A_289 = arith.remsi %add3A_275, %jit3A : i32
      %ne3A_290 = arith.constant 0 : i32
      %ne3A_291 = arith.cmpi ne, %rem3A_289, %ne3A_290 : i32
      %and3A_292 = arith.andi %ne3A, %ne3A_291 : i1
      %sub3A = arith.constant 1 : i32
      %sub3A_293 = arith.subi %div3A, %sub3A : i32
      %select_n3A = arith.select %and3A_292, %sub3A_293, %div3A : i32
      %rem3A_294 = arith.constant 16384 : i32
      %rem3A_295 = arith.remsi %add3A_275, %rem3A_294 : i32
      %jit3A_296 = arith.constant 128 : i32
      %div3A_297 = arith.divsi %rem3A_295, %jit3A_296 : i32
      %sign3A_298 = arith.constant 0 : i32
      %sign3A_299 = arith.cmpi sgt, %rem3A_295, %sign3A_298 : i32
      %sign3A_300 = arith.extui %sign3A_299 : i1 to i32
      %sign3A_301 = arith.constant 0 : i32
      %sign3A_302 = arith.cmpi slt, %rem3A_295, %sign3A_301 : i32
      %sign3A_303 = arith.extui %sign3A_302 : i1 to i32
      %sign3A_304 = arith.subi %sign3A_300, %sign3A_303 : i32
      %sign3A_305 = arith.constant 0 : i32
      %sign3A_306 = arith.cmpi sgt, %jit3A_296, %sign3A_305 : i32
      %sign3A_307 = arith.extui %sign3A_306 : i1 to i32
      %sign3A_308 = arith.constant 0 : i32
      %sign3A_309 = arith.cmpi slt, %jit3A_296, %sign3A_308 : i32
      %sign3A_310 = arith.extui %sign3A_309 : i1 to i32
      %sign3A_311 = arith.subi %sign3A_307, %sign3A_310 : i32
      %ne3A_312 = arith.cmpi ne, %sign3A_304, %sign3A_311 : i32
      %rem3A_313 = arith.remsi %rem3A_295, %jit3A_296 : i32
      %ne3A_314 = arith.constant 0 : i32
      %ne3A_315 = arith.cmpi ne, %rem3A_313, %ne3A_314 : i32
      %and3A_316 = arith.andi %ne3A_312, %ne3A_315 : i1
      %sub3A_317 = arith.constant 1 : i32
      %sub3A_318 = arith.subi %div3A_297, %sub3A_317 : i32
      %select_n3A_319 = arith.select %and3A_316, %sub3A_318, %div3A_297 : i32
      %add3A_320 = arith.constant 1 : i32
      %add3A_321 = arith.addi %scan3A_267, %add3A_320 : i32
      %lt3A = arith.constant 100 : i32
      %lt3A_322 = arith.cmpi slt, %add3A_321, %lt3A : i32
      %convert_element_type3A = arith.extui %lt3A_322 : i1 to i32
      %cond3A = arith.constant 0 : i32
      %cond3A_323 = arith.cmpi ne, %convert_element_type3A, %cond3A : i32
      scf.if %cond3A_323 {
        %add3A_527 = arith.constant 1 : i32
        %add3A_528 = arith.addi %scan3A_267, %add3A_527 : i32
        %mul3A_529 = arith.constant 256 : i32
        %mul3A_530 = arith.muli %add3A_528, %mul3A_529 : i32
        %dma_start3A_531 = arith.constant 0 : i32
        %dma_start3A_532 = arith.constant 0 : i32
        %dma_start3A_533 = tpu.memref_slice %arg6[%rem3A_272, %dma_start3A_531, %dma_start3A_532] : memref<2x256x64xf32, #tpu.memory_space<vmem>> -> memref<1x256x64xf32, #tpu.memory_space<vmem>>
        %dma_start3A_534 = tpu.memref_squeeze %dma_start3A_533 : memref<1x256x64xf32, #tpu.memory_space<vmem>> -> memref<256x64xf32, #tpu.memory_space<vmem>>
        %dma_start3A_535 = tpu.memref_slice %arg5[%mul3A_530] : memref<25600xi32, #tpu.memory_space<vmem>> -> memref<256xi32, #tpu.memory_space<vmem>>
        %dma_start3A_536 = arith.constant 0 : i32
        %dma_start3A_537 = arith.constant 0 : i32
        %dma_start3A_538 = tpu.memref_slice %arg3[%dma_start3A_536, %dma_start3A_537] : memref<1000000x64xf32, #tpu.memory_space<hbm>> -> memref<1000000x64xf32, #tpu.memory_space<hbm>>
        %dma_start3A_539 = tpu.memref_slice %arg8[%rem3A_272] : memref<2x!tpu.dma_semaphore, #tpu.memory_space<semaphore_mem>> -> memref<1x!tpu.dma_semaphore, #tpu.memory_space<semaphore_mem>>
        %dma_start3A_540 = tpu.memref_squeeze %dma_start3A_539 : memref<1x!tpu.dma_semaphore, #tpu.memory_space<semaphore_mem>> -> memref<!tpu.dma_semaphore, #tpu.memory_space<semaphore_mem>>
        tpu.enqueue_indirect_dma source(%dma_start3A_538 : memref<1000000x64xf32, #tpu.memory_space<hbm>>) target(%dma_start3A_534 : memref<256x64xf32, #tpu.memory_space<vmem>>) offsets(%dma_start3A_535 : memref<256xi32, #tpu.memory_space<vmem>>) semaphore(%dma_start3A_540 : memref<!tpu.dma_semaphore, #tpu.memory_space<semaphore_mem>>)
      } else {
      }
      %dma_wait3A_324 = arith.constant 0 : i32
      %dma_wait3A_325 = arith.constant 0 : i32
      %dma_wait3A_326 = tpu.memref_slice %arg6[%rem3A_268, %dma_wait3A_324, %dma_wait3A_325] : memref<2x256x64xf32, #tpu.memory_space<vmem>> -> memref<1x256x64xf32, #tpu.memory_space<vmem>>
      %dma_wait3A_327 = tpu.memref_squeeze %dma_wait3A_326 : memref<1x256x64xf32, #tpu.memory_space<vmem>> -> memref<256x64xf32, #tpu.memory_space<vmem>>
      %dma_wait3A_328 = arith.constant 0 : i32
      %dma_wait3A_329 = tpu.memref_slice %arg5[%dma_wait3A_328] : memref<25600xi32, #tpu.memory_space<vmem>> -> memref<256xi32, #tpu.memory_space<vmem>>
      %dma_wait3A_330 = arith.constant 0 : i32
      %dma_wait3A_331 = arith.constant 0 : i32
      %dma_wait3A_332 = tpu.memref_slice %arg3[%dma_wait3A_330, %dma_wait3A_331] : memref<1000000x64xf32, #tpu.memory_space<hbm>> -> memref<1000000x64xf32, #tpu.memory_space<hbm>>
      %dma_wait3A_333 = tpu.memref_slice %arg8[%rem3A_268] : memref<2x!tpu.dma_semaphore, #tpu.memory_space<semaphore_mem>> -> memref<1x!tpu.dma_semaphore, #tpu.memory_space<semaphore_mem>>
      %dma_wait3A_334 = tpu.memref_squeeze %dma_wait3A_333 : memref<1x!tpu.dma_semaphore, #tpu.memory_space<semaphore_mem>> -> memref<!tpu.dma_semaphore, #tpu.memory_space<semaphore_mem>>
      tpu.wait_indirect_dma semaphore(%dma_wait3A_334 : memref<!tpu.dma_semaphore, #tpu.memory_space<semaphore_mem>>) src(%dma_wait3A_332 : memref<1000000x64xf32, #tpu.memory_space<hbm>>) dst(%dma_wait3A_327 : memref<256x64xf32, #tpu.memory_space<vmem>>)
      %rem3A_335 = arith.constant 16384 : i32
      %rem3A_336 = arith.remsi %add3A_275, %rem3A_335 : i32
      %eq3A = arith.constant 0 : i32
      %eq3A_337 = arith.cmpi eq, %rem3A_336, %eq3A : i32
      %convert_element_type3A_338 = arith.extui %eq3A_337 : i1 to i32
      %cond3A_339 = arith.constant 0 : i32
      %cond3A_340 = arith.cmpi ne, %convert_element_type3A_338, %cond3A_339 : i32
      scf.if %cond3A_340 {
        %broadcast_in_dim3A_527 = arith.constant 0.000000e+00 : f32
        %broadcast_in_dim3A_528 = vector.broadcast %broadcast_in_dim3A_527 : f32 to vector<16xf32>
        %swap3A = arith.constant 0 : i32
        %swap3A_529 = arith.index_cast %rem3A_268 : i32 to index
        %swap3A_530 = arith.index_cast %swap3A : i32 to index
        %swap3A_531 = arith.constant 0 : index
        %swap3A_532 = tpu.vector_load %arg6[%swap3A_529, %swap3A_530, %swap3A_531] {strides = array<i32>} : memref<2x256x64xf32, #tpu.memory_space<vmem>>, vector<16xf32>,
        tpu.vector_store %arg6[%swap3A_529, %swap3A_530, %swap3A_531], %broadcast_in_dim3A_528 {strides = array<i32>} : memref<2x256x64xf32, #tpu.memory_space<vmem>>, vector<16xf32>,
        %broadcast_in_dim3A_533 = arith.constant 0.000000e+00 : f32
        %broadcast_in_dim3A_534 = vector.broadcast %broadcast_in_dim3A_533 : f32 to vector<16xf32>
        %swap3A_535 = arith.constant 0 : i32
        %swap3A_536 = arith.index_cast %rem3A_268 : i32 to index
        %swap3A_537 = arith.index_cast %swap3A_535 : i32 to index
        %swap3A_538 = arith.constant 16 : index
        %swap3A_539 = tpu.vector_load %arg6[%swap3A_536, %swap3A_537, %swap3A_538] {strides = array<i32>} : memref<2x256x64xf32, #tpu.memory_space<vmem>>, vector<16xf32>,
        tpu.vector_store %arg6[%swap3A_536, %swap3A_537, %swap3A_538], %broadcast_in_dim3A_534 {strides = array<i32>} : memref<2x256x64xf32, #tpu.memory_space<vmem>>, vector<16xf32>,
        %broadcast_in_dim3A_540 = arith.constant 0.000000e+00 : f32
        %broadcast_in_dim3A_541 = vector.broadcast %broadcast_in_dim3A_540 : f32 to vector<16xf32>
        %swap3A_542 = arith.constant 0 : i32
        %swap3A_543 = arith.index_cast %rem3A_268 : i32 to index
        %swap3A_544 = arith.index_cast %swap3A_542 : i32 to index
        %swap3A_545 = arith.constant 32 : index
        %swap3A_546 = tpu.vector_load %arg6[%swap3A_543, %swap3A_544, %swap3A_545] {strides = array<i32>} : memref<2x256x64xf32, #tpu.memory_space<vmem>>, vector<16xf32>,
        tpu.vector_store %arg6[%swap3A_543, %swap3A_544, %swap3A_545], %broadcast_in_dim3A_541 {strides = array<i32>} : memref<2x256x64xf32, #tpu.memory_space<vmem>>, vector<16xf32>,
        %broadcast_in_dim3A_547 = arith.constant 0.000000e+00 : f32
        %broadcast_in_dim3A_548 = vector.broadcast %broadcast_in_dim3A_547 : f32 to vector<16xf32>
        %swap3A_549 = arith.constant 0 : i32
        %swap3A_550 = arith.index_cast %rem3A_268 : i32 to index
        %swap3A_551 = arith.index_cast %swap3A_549 : i32 to index
        %swap3A_552 = arith.constant 48 : index
        %swap3A_553 = tpu.vector_load %arg6[%swap3A_550, %swap3A_551, %swap3A_552] {strides = array<i32>} : memref<2x256x64xf32, #tpu.memory_space<vmem>>, vector<16xf32>,
        tpu.vector_store %arg6[%swap3A_550, %swap3A_551, %swap3A_552], %broadcast_in_dim3A_548 {strides = array<i32>} : memref<2x256x64xf32, #tpu.memory_space<vmem>>, vector<16xf32>,
      } else {
      }
      %ge3A = arith.constant 2 : i32
      %ge3A_341 = arith.cmpi sge, %scan3A_267, %ge3A : i32
      %convert_element_type3A_342 = arith.extui %ge3A_341 : i1 to i32
      %cond3A_343 = arith.constant 0 : i32
      %cond3A_344 = arith.cmpi ne, %convert_element_type3A_342, %cond3A_343 : i32
      scf.if %cond3A_344 {
        %dma_wait3A_527 = arith.constant 0 : i32
        %dma_wait3A_528 = arith.constant 0 : i32
        %dma_wait3A_529 = arith.constant 0 : i32
        %dma_wait3A_530 = arith.constant 0 : i32
        %dma_wait3A_531 = arith.constant 0 : i32
        %dma_wait3A_532 = tpu.memref_slice %arg7[%rem3A_268, %dma_wait3A_528, %dma_wait3A_529, %dma_wait3A_530, %dma_wait3A_531] : memref<2x8x2x8x128xf32, #tpu.memory_space<vmem>> -> memref<1x8x2x8x128xf32, #tpu.memory_space<vmem>>
        %dma_wait3A_533 = tpu.memref_squeeze %dma_wait3A_532 : memref<1x8x2x8x128xf32, #tpu.memory_space<vmem>> -> memref<8x2x8x128xf32, #tpu.memory_space<vmem>>
        %dma_wait3A_534 = arith.constant 0 : i32
        %dma_wait3A_535 = arith.constant 0 : i32
        %dma_wait3A_536 = arith.constant 0 : i32
        %dma_wait3A_537 = arith.constant 0 : i32
        %dma_wait3A_538 = tpu.memref_slice %arg4[%dma_wait3A_527, %dma_wait3A_534, %dma_wait3A_535, %dma_wait3A_536, %dma_wait3A_537] : memref<50x8x128x8x128xf32, #tpu.memory_space<hbm>> -> memref<1x8x2x8x128xf32, #tpu.memory_space<hbm>>
        %dma_wait3A_539 = tpu.memref_squeeze %dma_wait3A_538 : memref<1x8x2x8x128xf32, #tpu.memory_space<hbm>> -> memref<8x2x8x128xf32, #tpu.memory_space<hbm>>
        %dma_wait3A_540 = tpu.memref_slice %arg9[%rem3A_268] : memref<2x!tpu.dma_semaphore, #tpu.memory_space<semaphore_mem>> -> memref<1x!tpu.dma_semaphore, #tpu.memory_space<semaphore_mem>>
        %dma_wait3A_541 = tpu.memref_squeeze %dma_wait3A_540 : memref<1x!tpu.dma_semaphore, #tpu.memory_space<semaphore_mem>> -> memref<!tpu.dma_semaphore, #tpu.memory_space<semaphore_mem>>
        %dma_wait3A_542 = arith.constant 0 : i32
        %dma_wait3A_543 = arith.constant 0 : i32
        %dma_wait3A_544 = arith.constant 0 : i32
        %dma_wait3A_545 = arith.constant 0 : i32
        %dma_wait3A_546 = tpu.memref_slice %arg4[%dma_wait3A_527, %dma_wait3A_542, %dma_wait3A_543, %dma_wait3A_544, %dma_wait3A_545] : memref<50x8x128x8x128xf32, #tpu.memory_space<hbm>> -> memref<1x8x2x8x128xf32, #tpu.memory_space<hbm>>
        %dma_wait3A_547 = tpu.memref_squeeze %dma_wait3A_546 : memref<1x8x2x8x128xf32, #tpu.memory_space<hbm>> -> memref<8x2x8x128xf32, #tpu.memory_space<hbm>>
        %dma_wait3A_548 = arith.constant 0 : i32
        %dma_wait3A_549 = arith.constant 0 : i32
        %dma_wait3A_550 = arith.constant 0 : i32
        %dma_wait3A_551 = arith.constant 0 : i32
        %dma_wait3A_552 = tpu.memref_slice %arg7[%rem3A_268, %dma_wait3A_548, %dma_wait3A_549, %dma_wait3A_550, %dma_wait3A_551] : memref<2x8x2x8x128xf32, #tpu.memory_space<vmem>> -> memref<1x8x2x8x128xf32, #tpu.memory_space<vmem>>
        %dma_wait3A_553 = tpu.memref_squeeze %dma_wait3A_552 : memref<1x8x2x8x128xf32, #tpu.memory_space<vmem>> -> memref<8x2x8x128xf32, #tpu.memory_space<vmem>>
        tpu.wait_dma2 semaphore(%dma_wait3A_541 : memref<!tpu.dma_semaphore, #tpu.memory_space<semaphore_mem>>) src(%dma_wait3A_553 : memref<8x2x8x128xf32, #tpu.memory_space<vmem>>) dst(%dma_wait3A_547 : memref<8x2x8x128xf32, #tpu.memory_space<hbm>>)
      } else {
      }
      %broadcast_in_dim3A = vector.broadcast %rem3A_268 : i32 to vector<16xi32>
      %scan3A_345 = arith.constant 0 : i32
      %scan3A_346 = arith.constant 0 : i32
      %scan3A_347 = arith.constant 64 : i32
      %scan3A_348 = arith.addi %scan3A_346, %scan3A_347 : i32
      %scan3A_349 = arith.constant 1 : i32
      scf.for %scan3A_527 = %scan3A_346 to %scan3A_348 step %scan3A_349  : i32 {
        %jit3A_528 = arith.constant 4 : i32
        %div3A_529 = arith.divsi %scan3A_527, %jit3A_528 : i32
        %sign3A_530 = arith.constant 0 : i32
        %sign3A_531 = arith.cmpi sgt, %scan3A_527, %sign3A_530 : i32
        %sign3A_532 = arith.extui %sign3A_531 : i1 to i32
        %sign3A_533 = arith.constant 0 : i32
        %sign3A_534 = arith.cmpi slt, %scan3A_527, %sign3A_533 : i32
        %sign3A_535 = arith.extui %sign3A_534 : i1 to i32
        %sign3A_536 = arith.subi %sign3A_532, %sign3A_535 : i32
        %sign3A_537 = arith.constant 0 : i32
        %sign3A_538 = arith.cmpi sgt, %jit3A_528, %sign3A_537 : i32
        %sign3A_539 = arith.extui %sign3A_538 : i1 to i32
        %sign3A_540 = arith.constant 0 : i32
        %sign3A_541 = arith.cmpi slt, %jit3A_528, %sign3A_540 : i32
        %sign3A_542 = arith.extui %sign3A_541 : i1 to i32
        %sign3A_543 = arith.subi %sign3A_539, %sign3A_542 : i32
        %ne3A_544 = arith.cmpi ne, %sign3A_536, %sign3A_543 : i32
        %rem3A_545 = arith.remsi %scan3A_527, %jit3A_528 : i32
        %ne3A_546 = arith.constant 0 : i32
        %ne3A_547 = arith.cmpi ne, %rem3A_545, %ne3A_546 : i32
        %and3A_548 = arith.andi %ne3A_544, %ne3A_547 : i1
        %sub3A_549 = arith.constant 1 : i32
        %sub3A_550 = arith.subi %div3A_529, %sub3A_549 : i32
        %select_n3A_551 = arith.select %and3A_548, %sub3A_550, %div3A_529 : i32
        %rem3A_552 = arith.constant 4 : i32
        %rem3A_553 = arith.remsi %scan3A_527, %rem3A_552 : i32
        %mul3A_554 = arith.constant 16 : i32
        %mul3A_555 = arith.muli %select_n3A_551, %mul3A_554 : i32
        %add3A_556 = vector.broadcast %mul3A_555 : i32 to vector<16xi32>
        %add3A_557 = arith.addi %iota3A, %add3A_556 : vector<16xi32>
        %jit3A_558 = arith.constant 8 : i32
        %div3A_559 = arith.divsi %select_n3A_551, %jit3A_558 : i32
        %sign3A_560 = arith.constant 0 : i32
        %sign3A_561 = arith.cmpi sgt, %select_n3A_551, %sign3A_560 : i32
        %sign3A_562 = arith.extui %sign3A_561 : i1 to i32
        %sign3A_563 = arith.constant 0 : i32
        %sign3A_564 = arith.cmpi slt, %select_n3A_551, %sign3A_563 : i32
        %sign3A_565 = arith.extui %sign3A_564 : i1 to i32
        %sign3A_566 = arith.subi %sign3A_562, %sign3A_565 : i32
        %sign3A_567 = arith.constant 0 : i32
        %sign3A_568 = arith.cmpi sgt, %jit3A_558, %sign3A_567 : i32
        %sign3A_569 = arith.extui %sign3A_568 : i1 to i32
        %sign3A_570 = arith.constant 0 : i32
        %sign3A_571 = arith.cmpi slt, %jit3A_558, %sign3A_570 : i32
        %sign3A_572 = arith.extui %sign3A_571 : i1 to i32
        %sign3A_573 = arith.subi %sign3A_569, %sign3A_572 : i32
        %ne3A_574 = arith.cmpi ne, %sign3A_566, %sign3A_573 : i32
        %rem3A_575 = arith.remsi %select_n3A_551, %jit3A_558 : i32
        %ne3A_576 = arith.constant 0 : i32
        %ne3A_577 = arith.cmpi ne, %rem3A_575, %ne3A_576 : i32
        %and3A_578 = arith.andi %ne3A_574, %ne3A_577 : i1
        %sub3A_579 = arith.constant 1 : i32
        %sub3A_580 = arith.subi %div3A_559, %sub3A_579 : i32
        %select_n3A_581 = arith.select %and3A_578, %sub3A_580, %div3A_559 : i32
        %broadcast_in_dim3A_582 = vector.broadcast %select_n3A_581 : i32 to vector<16xi32>
        %rem3A_583 = arith.constant 8 : i32
        %rem3A_584 = arith.remsi %select_n3A_551, %rem3A_583 : i32
        %mul3A_585 = arith.constant 16 : i32
        %mul3A_586 = arith.muli %rem3A_584, %mul3A_585 : i32
        %add3A_587 = vector.broadcast %mul3A_586 : i32 to vector<16xi32>
        %add3A_588 = arith.addi %iota3A, %add3A_587 : vector<16xi32>
        %mul3A_589 = arith.constant 2 : i32
        %mul3A_590 = arith.muli %rem3A_553, %mul3A_589 : i32
        %mul3A_591 = arith.constant 16 : i32
        %mul3A_592 = arith.muli %rem3A_553, %mul3A_591 : i32
        %add3A_593 = vector.broadcast %mul3A_592 : i32 to vector<16xi32>
        %add3A_594 = arith.addi %and3A_7, %add3A_593 : vector<16xi32>
        %gather3A = tpu.vector_load_idx %arg6[%broadcast_in_dim3A, %add3A_557, %add3A_594] : memref<2x256x64xf32, #tpu.memory_space<vmem>>[vector<16xi32>, vector<16xi32>, vector<16xi32>], vector<16xf32>,
        %add3A_595 = vector.broadcast %mul3A_590 : i32 to vector<16xi32>
        %add3A_596 = arith.addi %shift_right_arithmetic3A_99, %add3A_595 : vector<16xi32>
        tpu.vector_store_idx %arg7[%broadcast_in_dim3A, %add3A_596, %broadcast_in_dim3A_582, %and3A_147, %add3A_588], %gather3A : memref<2x8x2x8x128xf32, #tpu.memory_space<vmem>>[vector<16xi32>, vector<16xi32>, vector<16xi32>, vector<16xi32>, vector<16xi32>], vector<16xf32>,
        %add3A_597 = vector.broadcast %mul3A_592 : i32 to vector<16xi32>
        %add3A_598 = arith.addi %and3A_13, %add3A_597 : vector<16xi32>
        %gather3A_599 = tpu.vector_load_idx %arg6[%broadcast_in_dim3A, %add3A_557, %add3A_598] : memref<2x256x64xf32, #tpu.memory_space<vmem>>[vector<16xi32>, vector<16xi32>, vector<16xi32>], vector<16xf32>,
        %add3A_600 = vector.broadcast %mul3A_590 : i32 to vector<16xi32>
        %add3A_601 = arith.addi %shift_right_arithmetic3A_102, %add3A_600 : vector<16xi32>
        tpu.vector_store_idx %arg7[%broadcast_in_dim3A, %add3A_601, %broadcast_in_dim3A_582, %and3A_150, %add3A_588], %gather3A_599 : memref<2x8x2x8x128xf32, #tpu.memory_space<vmem>>[vector<16xi32>, vector<16xi32>, vector<16xi32>, vector<16xi32>, vector<16xi32>], vector<16xf32>,
        %add3A_602 = vector.broadcast %mul3A_592 : i32 to vector<16xi32>
        %add3A_603 = arith.addi %and3A_19, %add3A_602 : vector<16xi32>
        %gather3A_604 = tpu.vector_load_idx %arg6[%broadcast_in_dim3A, %add3A_557, %add3A_603] : memref<2x256x64xf32, #tpu.memory_space<vmem>>[vector<16xi32>, vector<16xi32>, vector<16xi32>], vector<16xf32>,
        %add3A_605 = vector.broadcast %mul3A_590 : i32 to vector<16xi32>
        %add3A_606 = arith.addi %shift_right_arithmetic3A_105, %add3A_605 : vector<16xi32>
        tpu.vector_store_idx %arg7[%broadcast_in_dim3A, %add3A_606, %broadcast_in_dim3A_582, %and3A_153, %add3A_588], %gather3A_604 : memref<2x8x2x8x128xf32, #tpu.memory_space<vmem>>[vector<16xi32>, vector<16xi32>, vector<16xi32>, vector<16xi32>, vector<16xi32>], vector<16xf32>,
        %add3A_607 = vector.broadcast %mul3A_592 : i32 to vector<16xi32>
        %add3A_608 = arith.addi %and3A_25, %add3A_607 : vector<16xi32>
        %gather3A_609 = tpu.vector_load_idx %arg6[%broadcast_in_dim3A, %add3A_557, %add3A_608] : memref<2x256x64xf32, #tpu.memory_space<vmem>>[vector<16xi32>, vector<16xi32>, vector<16xi32>], vector<16xf32>,
        %add3A_610 = vector.broadcast %mul3A_590 : i32 to vector<16xi32>
        %add3A_611 = arith.addi %shift_right_arithmetic3A_108, %add3A_610 : vector<16xi32>
        tpu.vector_store_idx %arg7[%broadcast_in_dim3A, %add3A_611, %broadcast_in_dim3A_582, %and3A_156, %add3A_588], %gather3A_609 : memref<2x8x2x8x128xf32, #tpu.memory_space<vmem>>[vector<16xi32>, vector<16xi32>, vector<16xi32>, vector<16xi32>, vector<16xi32>], vector<16xf32>,
        %add3A_612 = vector.broadcast %mul3A_592 : i32 to vector<16xi32>
        %add3A_613 = arith.addi %and3A_31, %add3A_612 : vector<16xi32>
        %gather3A_614 = tpu.vector_load_idx %arg6[%broadcast_in_dim3A, %add3A_557, %add3A_613] : memref<2x256x64xf32, #tpu.memory_space<vmem>>[vector<16xi32>, vector<16xi32>, vector<16xi32>], vector<16xf32>,
        %add3A_615 = vector.broadcast %mul3A_590 : i32 to vector<16xi32>
        %add3A_616 = arith.addi %shift_right_arithmetic3A_111, %add3A_615 : vector<16xi32>
        tpu.vector_store_idx %arg7[%broadcast_in_dim3A, %add3A_616, %broadcast_in_dim3A_582, %and3A_159, %add3A_588], %gather3A_614 : memref<2x8x2x8x128xf32, #tpu.memory_space<vmem>>[vector<16xi32>, vector<16xi32>, vector<16xi32>, vector<16xi32>, vector<16xi32>], vector<16xf32>,
        %add3A_617 = vector.broadcast %mul3A_592 : i32 to vector<16xi32>
        %add3A_618 = arith.addi %and3A_37, %add3A_617 : vector<16xi32>
        %gather3A_619 = tpu.vector_load_idx %arg6[%broadcast_in_dim3A, %add3A_557, %add3A_618] : memref<2x256x64xf32, #tpu.memory_space<vmem>>[vector<16xi32>, vector<16xi32>, vector<16xi32>], vector<16xf32>,
        %add3A_620 = vector.broadcast %mul3A_590 : i32 to vector<16xi32>
        %add3A_621 = arith.addi %shift_right_arithmetic3A_114, %add3A_620 : vector<16xi32>
        tpu.vector_store_idx %arg7[%broadcast_in_dim3A, %add3A_621, %broadcast_in_dim3A_582, %and3A_162, %add3A_588], %gather3A_619 : memref<2x8x2x8x128xf32, #tpu.memory_space<vmem>>[vector<16xi32>, vector<16xi32>, vector<16xi32>, vector<16xi32>, vector<16xi32>], vector<16xf32>,
        %add3A_622 = vector.broadcast %mul3A_592 : i32 to vector<16xi32>
        %add3A_623 = arith.addi %and3A_43, %add3A_622 : vector<16xi32>
        %gather3A_624 = tpu.vector_load_idx %arg6[%broadcast_in_dim3A, %add3A_557, %add3A_623] : memref<2x256x64xf32, #tpu.memory_space<vmem>>[vector<16xi32>, vector<16xi32>, vector<16xi32>], vector<16xf32>,
        %add3A_625 = vector.broadcast %mul3A_590 : i32 to vector<16xi32>
        %add3A_626 = arith.addi %shift_right_arithmetic3A_117, %add3A_625 : vector<16xi32>
        tpu.vector_store_idx %arg7[%broadcast_in_dim3A, %add3A_626, %broadcast_in_dim3A_582, %and3A_165, %add3A_588], %gather3A_624 : memref<2x8x2x8x128xf32, #tpu.memory_space<vmem>>[vector<16xi32>, vector<16xi32>, vector<16xi32>, vector<16xi32>, vector<16xi32>], vector<16xf32>,
        %add3A_627 = vector.broadcast %mul3A_592 : i32 to vector<16xi32>
        %add3A_628 = arith.addi %and3A_49, %add3A_627 : vector<16xi32>
        %gather3A_629 = tpu.vector_load_idx %arg6[%broadcast_in_dim3A, %add3A_557, %add3A_628] : memref<2x256x64xf32, #tpu.memory_space<vmem>>[vector<16xi32>, vector<16xi32>, vector<16xi32>], vector<16xf32>,
        %add3A_630 = vector.broadcast %mul3A_590 : i32 to vector<16xi32>
        %add3A_631 = arith.addi %shift_right_arithmetic3A_120, %add3A_630 : vector<16xi32>
        tpu.vector_store_idx %arg7[%broadcast_in_dim3A, %add3A_631, %broadcast_in_dim3A_582, %and3A_168, %add3A_588], %gather3A_629 : memref<2x8x2x8x128xf32, #tpu.memory_space<vmem>>[vector<16xi32>, vector<16xi32>, vector<16xi32>, vector<16xi32>, vector<16xi32>], vector<16xf32>,
        %add3A_632 = vector.broadcast %mul3A_592 : i32 to vector<16xi32>
        %add3A_633 = arith.addi %and3A_55, %add3A_632 : vector<16xi32>
        %gather3A_634 = tpu.vector_load_idx %arg6[%broadcast_in_dim3A, %add3A_557, %add3A_633] : memref<2x256x64xf32, #tpu.memory_space<vmem>>[vector<16xi32>, vector<16xi32>, vector<16xi32>], vector<16xf32>,
        %add3A_635 = vector.broadcast %mul3A_590 : i32 to vector<16xi32>
        %add3A_636 = arith.addi %shift_right_arithmetic3A_123, %add3A_635 : vector<16xi32>
        tpu.vector_store_idx %arg7[%broadcast_in_dim3A, %add3A_636, %broadcast_in_dim3A_582, %and3A_171, %add3A_588], %gather3A_634 : memref<2x8x2x8x128xf32, #tpu.memory_space<vmem>>[vector<16xi32>, vector<16xi32>, vector<16xi32>, vector<16xi32>, vector<16xi32>], vector<16xf32>,
        %add3A_637 = vector.broadcast %mul3A_592 : i32 to vector<16xi32>
        %add3A_638 = arith.addi %and3A_61, %add3A_637 : vector<16xi32>
        %gather3A_639 = tpu.vector_load_idx %arg6[%broadcast_in_dim3A, %add3A_557, %add3A_638] : memref<2x256x64xf32, #tpu.memory_space<vmem>>[vector<16xi32>, vector<16xi32>, vector<16xi32>], vector<16xf32>,
        %add3A_640 = vector.broadcast %mul3A_590 : i32 to vector<16xi32>
        %add3A_641 = arith.addi %shift_right_arithmetic3A_126, %add3A_640 : vector<16xi32>
        tpu.vector_store_idx %arg7[%broadcast_in_dim3A, %add3A_641, %broadcast_in_dim3A_582, %and3A_174, %add3A_588], %gather3A_639 : memref<2x8x2x8x128xf32, #tpu.memory_space<vmem>>[vector<16xi32>, vector<16xi32>, vector<16xi32>, vector<16xi32>, vector<16xi32>], vector<16xf32>,
        %add3A_642 = vector.broadcast %mul3A_592 : i32 to vector<16xi32>
        %add3A_643 = arith.addi %and3A_67, %add3A_642 : vector<16xi32>
        %gather3A_644 = tpu.vector_load_idx %arg6[%broadcast_in_dim3A, %add3A_557, %add3A_643] : memref<2x256x64xf32, #tpu.memory_space<vmem>>[vector<16xi32>, vector<16xi32>, vector<16xi32>], vector<16xf32>,
        %add3A_645 = vector.broadcast %mul3A_590 : i32 to vector<16xi32>
        %add3A_646 = arith.addi %shift_right_arithmetic3A_129, %add3A_645 : vector<16xi32>
        tpu.vector_store_idx %arg7[%broadcast_in_dim3A, %add3A_646, %broadcast_in_dim3A_582, %and3A_177, %add3A_588], %gather3A_644 : memref<2x8x2x8x128xf32, #tpu.memory_space<vmem>>[vector<16xi32>, vector<16xi32>, vector<16xi32>, vector<16xi32>, vector<16xi32>], vector<16xf32>,
        %add3A_647 = vector.broadcast %mul3A_592 : i32 to vector<16xi32>
        %add3A_648 = arith.addi %and3A_73, %add3A_647 : vector<16xi32>
        %gather3A_649 = tpu.vector_load_idx %arg6[%broadcast_in_dim3A, %add3A_557, %add3A_648] : memref<2x256x64xf32, #tpu.memory_space<vmem>>[vector<16xi32>, vector<16xi32>, vector<16xi32>], vector<16xf32>,
        %add3A_650 = vector.broadcast %mul3A_590 : i32 to vector<16xi32>
        %add3A_651 = arith.addi %shift_right_arithmetic3A_132, %add3A_650 : vector<16xi32>
        tpu.vector_store_idx %arg7[%broadcast_in_dim3A, %add3A_651, %broadcast_in_dim3A_582, %and3A_180, %add3A_588], %gather3A_649 : memref<2x8x2x8x128xf32, #tpu.memory_space<vmem>>[vector<16xi32>, vector<16xi32>, vector<16xi32>, vector<16xi32>, vector<16xi32>], vector<16xf32>,
        %add3A_652 = vector.broadcast %mul3A_592 : i32 to vector<16xi32>
        %add3A_653 = arith.addi %and3A_79, %add3A_652 : vector<16xi32>
        %gather3A_654 = tpu.vector_load_idx %arg6[%broadcast_in_dim3A, %add3A_557, %add3A_653] : memref<2x256x64xf32, #tpu.memory_space<vmem>>[vector<16xi32>, vector<16xi32>, vector<16xi32>], vector<16xf32>,
        %add3A_655 = vector.broadcast %mul3A_590 : i32 to vector<16xi32>
        %add3A_656 = arith.addi %shift_right_arithmetic3A_135, %add3A_655 : vector<16xi32>
        tpu.vector_store_idx %arg7[%broadcast_in_dim3A, %add3A_656, %broadcast_in_dim3A_582, %and3A_183, %add3A_588], %gather3A_654 : memref<2x8x2x8x128xf32, #tpu.memory_space<vmem>>[vector<16xi32>, vector<16xi32>, vector<16xi32>, vector<16xi32>, vector<16xi32>], vector<16xf32>,
        %add3A_657 = vector.broadcast %mul3A_592 : i32 to vector<16xi32>
        %add3A_658 = arith.addi %and3A_85, %add3A_657 : vector<16xi32>
        %gather3A_659 = tpu.vector_load_idx %arg6[%broadcast_in_dim3A, %add3A_557, %add3A_658] : memref<2x256x64xf32, #tpu.memory_space<vmem>>[vector<16xi32>, vector<16xi32>, vector<16xi32>], vector<16xf32>,
        %add3A_660 = vector.broadcast %mul3A_590 : i32 to vector<16xi32>
        %add3A_661 = arith.addi %shift_right_arithmetic3A_138, %add3A_660 : vector<16xi32>
        tpu.vector_store_idx %arg7[%broadcast_in_dim3A, %add3A_661, %broadcast_in_dim3A_582, %and3A_186, %add3A_588], %gather3A_659 : memref<2x8x2x8x128xf32, #tpu.memory_space<vmem>>[vector<16xi32>, vector<16xi32>, vector<16xi32>, vector<16xi32>, vector<16xi32>], vector<16xf32>,
        %add3A_662 = vector.broadcast %mul3A_592 : i32 to vector<16xi32>
        %add3A_663 = arith.addi %and3A_91, %add3A_662 : vector<16xi32>
        %gather3A_664 = tpu.vector_load_idx %arg6[%broadcast_in_dim3A, %add3A_557, %add3A_663] : memref<2x256x64xf32, #tpu.memory_space<vmem>>[vector<16xi32>, vector<16xi32>, vector<16xi32>], vector<16xf32>,
        %add3A_665 = vector.broadcast %mul3A_590 : i32 to vector<16xi32>
        %add3A_666 = arith.addi %shift_right_arithmetic3A_141, %add3A_665 : vector<16xi32>
        tpu.vector_store_idx %arg7[%broadcast_in_dim3A, %add3A_666, %broadcast_in_dim3A_582, %and3A_189, %add3A_588], %gather3A_664 : memref<2x8x2x8x128xf32, #tpu.memory_space<vmem>>[vector<16xi32>, vector<16xi32>, vector<16xi32>, vector<16xi32>, vector<16xi32>], vector<16xf32>,
        %add3A_667 = vector.broadcast %mul3A_592 : i32 to vector<16xi32>
        %add3A_668 = arith.addi %and3A_97, %add3A_667 : vector<16xi32>
        %gather3A_669 = tpu.vector_load_idx %arg6[%broadcast_in_dim3A, %add3A_557, %add3A_668] : memref<2x256x64xf32, #tpu.memory_space<vmem>>[vector<16xi32>, vector<16xi32>, vector<16xi32>], vector<16xf32>,
        %add3A_670 = vector.broadcast %mul3A_590 : i32 to vector<16xi32>
        %add3A_671 = arith.addi %shift_right_arithmetic3A_144, %add3A_670 : vector<16xi32>
        tpu.vector_store_idx %arg7[%broadcast_in_dim3A, %add3A_671, %broadcast_in_dim3A_582, %and3A_192, %add3A_588], %gather3A_669 : memref<2x8x2x8x128xf32, #tpu.memory_space<vmem>>[vector<16xi32>, vector<16xi32>, vector<16xi32>, vector<16xi32>, vector<16xi32>], vector<16xf32>,
      }
      %scan3A_350 = arith.constant 64 : i32
      %dma_start3A_351 = arith.constant 0 : i32
      %dma_start3A_352 = arith.constant 0 : i32
      %dma_start3A_353 = arith.constant 0 : i32
      %dma_start3A_354 = arith.constant 0 : i32
      %dma_start3A_355 = arith.constant 0 : i32
      %dma_start3A_356 = tpu.memref_slice %arg7[%rem3A_268, %dma_start3A_351, %dma_start3A_353, %dma_start3A_354, %dma_start3A_355] : memref<2x8x2x8x128xf32, #tpu.memory_space<vmem>> -> memref<1x1x2x8x128xf32, #tpu.memory_space<vmem>>
      %dma_start3A_357 = tpu.memref_squeeze %dma_start3A_356 : memref<1x1x2x8x128xf32, #tpu.memory_space<vmem>> -> memref<2x8x128xf32, #tpu.memory_space<vmem>>
      %dma_start3A_358 = arith.constant 0 : i32
      %dma_start3A_359 = arith.constant 0 : i32
      %dma_start3A_360 = tpu.memref_slice %arg4[%select_n3A, %dma_start3A_352, %select_n3A_319, %dma_start3A_358, %dma_start3A_359] : memref<50x8x128x8x128xf32, #tpu.memory_space<hbm>> -> memref<1x1x2x8x128xf32, #tpu.memory_space<hbm>>
      %dma_start3A_361 = tpu.memref_squeeze %dma_start3A_360 : memref<1x1x2x8x128xf32, #tpu.memory_space<hbm>> -> memref<2x8x128xf32, #tpu.memory_space<hbm>>
      %dma_start3A_362 = tpu.memref_slice %arg9[%rem3A_268] : memref<2x!tpu.dma_semaphore, #tpu.memory_space<semaphore_mem>> -> memref<1x!tpu.dma_semaphore, #tpu.memory_space<semaphore_mem>>
      %dma_start3A_363 = tpu.memref_squeeze %dma_start3A_362 : memref<1x!tpu.dma_semaphore, #tpu.memory_space<semaphore_mem>> -> memref<!tpu.dma_semaphore, #tpu.memory_space<semaphore_mem>>
      %dma_start3A_364 = arith.constant 0 : i32
      %dma_start3A_365 = arith.constant 0 : i32
      %dma_start3A_366 = tpu.memref_slice %arg4[%select_n3A, %dma_start3A_352, %select_n3A_319, %dma_start3A_364, %dma_start3A_365] : memref<50x8x128x8x128xf32, #tpu.memory_space<hbm>> -> memref<1x1x2x8x128xf32, #tpu.memory_space<hbm>>
      %dma_start3A_367 = tpu.memref_squeeze %dma_start3A_366 : memref<1x1x2x8x128xf32, #tpu.memory_space<hbm>> -> memref<2x8x128xf32, #tpu.memory_space<hbm>>
      %dma_start3A_368 = arith.constant 0 : i32
      %dma_start3A_369 = arith.constant 0 : i32
      %dma_start3A_370 = arith.constant 0 : i32
      %dma_start3A_371 = tpu.memref_slice %arg7[%rem3A_268, %dma_start3A_351, %dma_start3A_368, %dma_start3A_369, %dma_start3A_370] : memref<2x8x2x8x128xf32, #tpu.memory_space<vmem>> -> memref<1x1x2x8x128xf32, #tpu.memory_space<vmem>>
      %dma_start3A_372 = tpu.memref_squeeze %dma_start3A_371 : memref<1x1x2x8x128xf32, #tpu.memory_space<vmem>> -> memref<2x8x128xf32, #tpu.memory_space<vmem>>
      tpu.enqueue_dma source(%dma_start3A_372 : memref<2x8x128xf32, #tpu.memory_space<vmem>>) target(%dma_start3A_367 : memref<2x8x128xf32, #tpu.memory_space<hbm>>) target_semaphore(%dma_start3A_363 : memref<!tpu.dma_semaphore, #tpu.memory_space<semaphore_mem>>)
      %dma_start3A_373 = arith.constant 1 : i32
      %dma_start3A_374 = arith.constant 1 : i32
      %dma_start3A_375 = arith.constant 0 : i32
      %dma_start3A_376 = arith.constant 0 : i32
      %dma_start3A_377 = arith.constant 0 : i32
      %dma_start3A_378 = tpu.memref_slice %arg7[%rem3A_268, %dma_start3A_373, %dma_start3A_375, %dma_start3A_376, %dma_start3A_377] : memref<2x8x2x8x128xf32, #tpu.memory_space<vmem>> -> memref<1x1x2x8x128xf32, #tpu.memory_space<vmem>>
      %dma_start3A_379 = tpu.memref_squeeze %dma_start3A_378 : memref<1x1x2x8x128xf32, #tpu.memory_space<vmem>> -> memref<2x8x128xf32, #tpu.memory_space<vmem>>
      %dma_start3A_380 = arith.constant 0 : i32
      %dma_start3A_381 = arith.constant 0 : i32
      %dma_start3A_382 = tpu.memref_slice %arg4[%select_n3A, %dma_start3A_374, %select_n3A_319, %dma_start3A_380, %dma_start3A_381] : memref<50x8x128x8x128xf32, #tpu.memory_space<hbm>> -> memref<1x1x2x8x128xf32, #tpu.memory_space<hbm>>
      %dma_start3A_383 = tpu.memref_squeeze %dma_start3A_382 : memref<1x1x2x8x128xf32, #tpu.memory_space<hbm>> -> memref<2x8x128xf32, #tpu.memory_space<hbm>>
      %dma_start3A_384 = tpu.memref_slice %arg9[%rem3A_268] : memref<2x!tpu.dma_semaphore, #tpu.memory_space<semaphore_mem>> -> memref<1x!tpu.dma_semaphore, #tpu.memory_space<semaphore_mem>>
      %dma_start3A_385 = tpu.memref_squeeze %dma_start3A_384 : memref<1x!tpu.dma_semaphore, #tpu.memory_space<semaphore_mem>> -> memref<!tpu.dma_semaphore, #tpu.memory_space<semaphore_mem>>
      %dma_start3A_386 = arith.constant 0 : i32
      %dma_start3A_387 = arith.constant 0 : i32
      %dma_start3A_388 = tpu.memref_slice %arg4[%select_n3A, %dma_start3A_374, %select_n3A_319, %dma_start3A_386, %dma_start3A_387] : memref<50x8x128x8x128xf32, #tpu.memory_space<hbm>> -> memref<1x1x2x8x128xf32, #tpu.memory_space<hbm>>
      %dma_start3A_389 = tpu.memref_squeeze %dma_start3A_388 : memref<1x1x2x8x128xf32, #tpu.memory_space<hbm>> -> memref<2x8x128xf32, #tpu.memory_space<hbm>>
      %dma_start3A_390 = arith.constant 0 : i32
      %dma_start3A_391 = arith.constant 0 : i32
      %dma_start3A_392 = arith.constant 0 : i32
      %dma_start3A_393 = tpu.memref_slice %arg7[%rem3A_268, %dma_start3A_373, %dma_start3A_390, %dma_start3A_391, %dma_start3A_392] : memref<2x8x2x8x128xf32, #tpu.memory_space<vmem>> -> memref<1x1x2x8x128xf32, #tpu.memory_space<vmem>>
      %dma_start3A_394 = tpu.memref_squeeze %dma_start3A_393 : memref<1x1x2x8x128xf32, #tpu.memory_space<vmem>> -> memref<2x8x128xf32, #tpu.memory_space<vmem>>
      tpu.enqueue_dma source(%dma_start3A_394 : memref<2x8x128xf32, #tpu.memory_space<vmem>>) target(%dma_start3A_389 : memref<2x8x128xf32, #tpu.memory_space<hbm>>) target_semaphore(%dma_start3A_385 : memref<!tpu.dma_semaphore, #tpu.memory_space<semaphore_mem>>)
      %dma_start3A_395 = arith.constant 2 : i32
      %dma_start3A_396 = arith.constant 2 : i32
      %dma_start3A_397 = arith.constant 0 : i32
      %dma_start3A_398 = arith.constant 0 : i32
      %dma_start3A_399 = arith.constant 0 : i32
      %dma_start3A_400 = tpu.memref_slice %arg7[%rem3A_268, %dma_start3A_395, %dma_start3A_397, %dma_start3A_398, %dma_start3A_399] : memref<2x8x2x8x128xf32, #tpu.memory_space<vmem>> -> memref<1x1x2x8x128xf32, #tpu.memory_space<vmem>>
      %dma_start3A_401 = tpu.memref_squeeze %dma_start3A_400 : memref<1x1x2x8x128xf32, #tpu.memory_space<vmem>> -> memref<2x8x128xf32, #tpu.memory_space<vmem>>
      %dma_start3A_402 = arith.constant 0 : i32
      %dma_start3A_403 = arith.constant 0 : i32
      %dma_start3A_404 = tpu.memref_slice %arg4[%select_n3A, %dma_start3A_396, %select_n3A_319, %dma_start3A_402, %dma_start3A_403] : memref<50x8x128x8x128xf32, #tpu.memory_space<hbm>> -> memref<1x1x2x8x128xf32, #tpu.memory_space<hbm>>
      %dma_start3A_405 = tpu.memref_squeeze %dma_start3A_404 : memref<1x1x2x8x128xf32, #tpu.memory_space<hbm>> -> memref<2x8x128xf32, #tpu.memory_space<hbm>>
      %dma_start3A_406 = tpu.memref_slice %arg9[%rem3A_268] : memref<2x!tpu.dma_semaphore, #tpu.memory_space<semaphore_mem>> -> memref<1x!tpu.dma_semaphore, #tpu.memory_space<semaphore_mem>>
      %dma_start3A_407 = tpu.memref_squeeze %dma_start3A_406 : memref<1x!tpu.dma_semaphore, #tpu.memory_space<semaphore_mem>> -> memref<!tpu.dma_semaphore, #tpu.memory_space<semaphore_mem>>
      %dma_start3A_408 = arith.constant 0 : i32
      %dma_start3A_409 = arith.constant 0 : i32
      %dma_start3A_410 = tpu.memref_slice %arg4[%select_n3A, %dma_start3A_396, %select_n3A_319, %dma_start3A_408, %dma_start3A_409] : memref<50x8x128x8x128xf32, #tpu.memory_space<hbm>> -> memref<1x1x2x8x128xf32, #tpu.memory_space<hbm>>
      %dma_start3A_411 = tpu.memref_squeeze %dma_start3A_410 : memref<1x1x2x8x128xf32, #tpu.memory_space<hbm>> -> memref<2x8x128xf32, #tpu.memory_space<hbm>>
      %dma_start3A_412 = arith.constant 0 : i32
      %dma_start3A_413 = arith.constant 0 : i32
      %dma_start3A_414 = arith.constant 0 : i32
      %dma_start3A_415 = tpu.memref_slice %arg7[%rem3A_268, %dma_start3A_395, %dma_start3A_412, %dma_start3A_413, %dma_start3A_414] : memref<2x8x2x8x128xf32, #tpu.memory_space<vmem>> -> memref<1x1x2x8x128xf32, #tpu.memory_space<vmem>>
      %dma_start3A_416 = tpu.memref_squeeze %dma_start3A_415 : memref<1x1x2x8x128xf32, #tpu.memory_space<vmem>> -> memref<2x8x128xf32, #tpu.memory_space<vmem>>
      tpu.enqueue_dma source(%dma_start3A_416 : memref<2x8x128xf32, #tpu.memory_space<vmem>>) target(%dma_start3A_411 : memref<2x8x128xf32, #tpu.memory_space<hbm>>) target_semaphore(%dma_start3A_407 : memref<!tpu.dma_semaphore, #tpu.memory_space<semaphore_mem>>)
      %dma_start3A_417 = arith.constant 3 : i32
      %dma_start3A_418 = arith.constant 3 : i32
      %dma_start3A_419 = arith.constant 0 : i32
      %dma_start3A_420 = arith.constant 0 : i32
      %dma_start3A_421 = arith.constant 0 : i32
      %dma_start3A_422 = tpu.memref_slice %arg7[%rem3A_268, %dma_start3A_417, %dma_start3A_419, %dma_start3A_420, %dma_start3A_421] : memref<2x8x2x8x128xf32, #tpu.memory_space<vmem>> -> memref<1x1x2x8x128xf32, #tpu.memory_space<vmem>>
      %dma_start3A_423 = tpu.memref_squeeze %dma_start3A_422 : memref<1x1x2x8x128xf32, #tpu.memory_space<vmem>> -> memref<2x8x128xf32, #tpu.memory_space<vmem>>
      %dma_start3A_424 = arith.constant 0 : i32
      %dma_start3A_425 = arith.constant 0 : i32
      %dma_start3A_426 = tpu.memref_slice %arg4[%select_n3A, %dma_start3A_418, %select_n3A_319, %dma_start3A_424, %dma_start3A_425] : memref<50x8x128x8x128xf32, #tpu.memory_space<hbm>> -> memref<1x1x2x8x128xf32, #tpu.memory_space<hbm>>
      %dma_start3A_427 = tpu.memref_squeeze %dma_start3A_426 : memref<1x1x2x8x128xf32, #tpu.memory_space<hbm>> -> memref<2x8x128xf32, #tpu.memory_space<hbm>>
      %dma_start3A_428 = tpu.memref_slice %arg9[%rem3A_268] : memref<2x!tpu.dma_semaphore, #tpu.memory_space<semaphore_mem>> -> memref<1x!tpu.dma_semaphore, #tpu.memory_space<semaphore_mem>>
      %dma_start3A_429 = tpu.memref_squeeze %dma_start3A_428 : memref<1x!tpu.dma_semaphore, #tpu.memory_space<semaphore_mem>> -> memref<!tpu.dma_semaphore, #tpu.memory_space<semaphore_mem>>
      %dma_start3A_430 = arith.constant 0 : i32
      %dma_start3A_431 = arith.constant 0 : i32
      %dma_start3A_432 = tpu.memref_slice %arg4[%select_n3A, %dma_start3A_418, %select_n3A_319, %dma_start3A_430, %dma_start3A_431] : memref<50x8x128x8x128xf32, #tpu.memory_space<hbm>> -> memref<1x1x2x8x128xf32, #tpu.memory_space<hbm>>
      %dma_start3A_433 = tpu.memref_squeeze %dma_start3A_432 : memref<1x1x2x8x128xf32, #tpu.memory_space<hbm>> -> memref<2x8x128xf32, #tpu.memory_space<hbm>>
      %dma_start3A_434 = arith.constant 0 : i32
      %dma_start3A_435 = arith.constant 0 : i32
      %dma_start3A_436 = arith.constant 0 : i32
      %dma_start3A_437 = tpu.memref_slice %arg7[%rem3A_268, %dma_start3A_417, %dma_start3A_434, %dma_start3A_435, %dma_start3A_436] : memref<2x8x2x8x128xf32, #tpu.memory_space<vmem>> -> memref<1x1x2x8x128xf32, #tpu.memory_space<vmem>>
      %dma_start3A_438 = tpu.memref_squeeze %dma_start3A_437 : memref<1x1x2x8x128xf32, #tpu.memory_space<vmem>> -> memref<2x8x128xf32, #tpu.memory_space<vmem>>
      tpu.enqueue_dma source(%dma_start3A_438 : memref<2x8x128xf32, #tpu.memory_space<vmem>>) target(%dma_start3A_433 : memref<2x8x128xf32, #tpu.memory_space<hbm>>) target_semaphore(%dma_start3A_429 : memref<!tpu.dma_semaphore, #tpu.memory_space<semaphore_mem>>)
      %dma_start3A_439 = arith.constant 4 : i32
      %dma_start3A_440 = arith.constant 4 : i32
      %dma_start3A_441 = arith.constant 0 : i32
      %dma_start3A_442 = arith.constant 0 : i32
      %dma_start3A_443 = arith.constant 0 : i32
      %dma_start3A_444 = tpu.memref_slice %arg7[%rem3A_268, %dma_start3A_439, %dma_start3A_441, %dma_start3A_442, %dma_start3A_443] : memref<2x8x2x8x128xf32, #tpu.memory_space<vmem>> -> memref<1x1x2x8x128xf32, #tpu.memory_space<vmem>>
      %dma_start3A_445 = tpu.memref_squeeze %dma_start3A_444 : memref<1x1x2x8x128xf32, #tpu.memory_space<vmem>> -> memref<2x8x128xf32, #tpu.memory_space<vmem>>
      %dma_start3A_446 = arith.constant 0 : i32
      %dma_start3A_447 = arith.constant 0 : i32
      %dma_start3A_448 = tpu.memref_slice %arg4[%select_n3A, %dma_start3A_440, %select_n3A_319, %dma_start3A_446, %dma_start3A_447] : memref<50x8x128x8x128xf32, #tpu.memory_space<hbm>> -> memref<1x1x2x8x128xf32, #tpu.memory_space<hbm>>
      %dma_start3A_449 = tpu.memref_squeeze %dma_start3A_448 : memref<1x1x2x8x128xf32, #tpu.memory_space<hbm>> -> memref<2x8x128xf32, #tpu.memory_space<hbm>>
      %dma_start3A_450 = tpu.memref_slice %arg9[%rem3A_268] : memref<2x!tpu.dma_semaphore, #tpu.memory_space<semaphore_mem>> -> memref<1x!tpu.dma_semaphore, #tpu.memory_space<semaphore_mem>>
      %dma_start3A_451 = tpu.memref_squeeze %dma_start3A_450 : memref<1x!tpu.dma_semaphore, #tpu.memory_space<semaphore_mem>> -> memref<!tpu.dma_semaphore, #tpu.memory_space<semaphore_mem>>
      %dma_start3A_452 = arith.constant 0 : i32
      %dma_start3A_453 = arith.constant 0 : i32
      %dma_start3A_454 = tpu.memref_slice %arg4[%select_n3A, %dma_start3A_440, %select_n3A_319, %dma_start3A_452, %dma_start3A_453] : memref<50x8x128x8x128xf32, #tpu.memory_space<hbm>> -> memref<1x1x2x8x128xf32, #tpu.memory_space<hbm>>
      %dma_start3A_455 = tpu.memref_squeeze %dma_start3A_454 : memref<1x1x2x8x128xf32, #tpu.memory_space<hbm>> -> memref<2x8x128xf32, #tpu.memory_space<hbm>>
      %dma_start3A_456 = arith.constant 0 : i32
      %dma_start3A_457 = arith.constant 0 : i32
      %dma_start3A_458 = arith.constant 0 : i32
      %dma_start3A_459 = tpu.memref_slice %arg7[%rem3A_268, %dma_start3A_439, %dma_start3A_456, %dma_start3A_457, %dma_start3A_458] : memref<2x8x2x8x128xf32, #tpu.memory_space<vmem>> -> memref<1x1x2x8x128xf32, #tpu.memory_space<vmem>>
      %dma_start3A_460 = tpu.memref_squeeze %dma_start3A_459 : memref<1x1x2x8x128xf32, #tpu.memory_space<vmem>> -> memref<2x8x128xf32, #tpu.memory_space<vmem>>
      tpu.enqueue_dma source(%dma_start3A_460 : memref<2x8x128xf32, #tpu.memory_space<vmem>>) target(%dma_start3A_455 : memref<2x8x128xf32, #tpu.memory_space<hbm>>) target_semaphore(%dma_start3A_451 : memref<!tpu.dma_semaphore, #tpu.memory_space<semaphore_mem>>)
      %dma_start3A_461 = arith.constant 5 : i32
      %dma_start3A_462 = arith.constant 5 : i32
      %dma_start3A_463 = arith.constant 0 : i32
      %dma_start3A_464 = arith.constant 0 : i32
      %dma_start3A_465 = arith.constant 0 : i32
      %dma_start3A_466 = tpu.memref_slice %arg7[%rem3A_268, %dma_start3A_461, %dma_start3A_463, %dma_start3A_464, %dma_start3A_465] : memref<2x8x2x8x128xf32, #tpu.memory_space<vmem>> -> memref<1x1x2x8x128xf32, #tpu.memory_space<vmem>>
      %dma_start3A_467 = tpu.memref_squeeze %dma_start3A_466 : memref<1x1x2x8x128xf32, #tpu.memory_space<vmem>> -> memref<2x8x128xf32, #tpu.memory_space<vmem>>
      %dma_start3A_468 = arith.constant 0 : i32
      %dma_start3A_469 = arith.constant 0 : i32
      %dma_start3A_470 = tpu.memref_slice %arg4[%select_n3A, %dma_start3A_462, %select_n3A_319, %dma_start3A_468, %dma_start3A_469] : memref<50x8x128x8x128xf32, #tpu.memory_space<hbm>> -> memref<1x1x2x8x128xf32, #tpu.memory_space<hbm>>
      %dma_start3A_471 = tpu.memref_squeeze %dma_start3A_470 : memref<1x1x2x8x128xf32, #tpu.memory_space<hbm>> -> memref<2x8x128xf32, #tpu.memory_space<hbm>>
      %dma_start3A_472 = tpu.memref_slice %arg9[%rem3A_268] : memref<2x!tpu.dma_semaphore, #tpu.memory_space<semaphore_mem>> -> memref<1x!tpu.dma_semaphore, #tpu.memory_space<semaphore_mem>>
      %dma_start3A_473 = tpu.memref_squeeze %dma_start3A_472 : memref<1x!tpu.dma_semaphore, #tpu.memory_space<semaphore_mem>> -> memref<!tpu.dma_semaphore, #tpu.memory_space<semaphore_mem>>
      %dma_start3A_474 = arith.constant 0 : i32
      %dma_start3A_475 = arith.constant 0 : i32
      %dma_start3A_476 = tpu.memref_slice %arg4[%select_n3A, %dma_start3A_462, %select_n3A_319, %dma_start3A_474, %dma_start3A_475] : memref<50x8x128x8x128xf32, #tpu.memory_space<hbm>> -> memref<1x1x2x8x128xf32, #tpu.memory_space<hbm>>
      %dma_start3A_477 = tpu.memref_squeeze %dma_start3A_476 : memref<1x1x2x8x128xf32, #tpu.memory_space<hbm>> -> memref<2x8x128xf32, #tpu.memory_space<hbm>>
      %dma_start3A_478 = arith.constant 0 : i32
      %dma_start3A_479 = arith.constant 0 : i32
      %dma_start3A_480 = arith.constant 0 : i32
      %dma_start3A_481 = tpu.memref_slice %arg7[%rem3A_268, %dma_start3A_461, %dma_start3A_478, %dma_start3A_479, %dma_start3A_480] : memref<2x8x2x8x128xf32, #tpu.memory_space<vmem>> -> memref<1x1x2x8x128xf32, #tpu.memory_space<vmem>>
      %dma_start3A_482 = tpu.memref_squeeze %dma_start3A_481 : memref<1x1x2x8x128xf32, #tpu.memory_space<vmem>> -> memref<2x8x128xf32, #tpu.memory_space<vmem>>
      tpu.enqueue_dma source(%dma_start3A_482 : memref<2x8x128xf32, #tpu.memory_space<vmem>>) target(%dma_start3A_477 : memref<2x8x128xf32, #tpu.memory_space<hbm>>) target_semaphore(%dma_start3A_473 : memref<!tpu.dma_semaphore, #tpu.memory_space<semaphore_mem>>)
      %dma_start3A_483 = arith.constant 6 : i32
      %dma_start3A_484 = arith.constant 6 : i32
      %dma_start3A_485 = arith.constant 0 : i32
      %dma_start3A_486 = arith.constant 0 : i32
      %dma_start3A_487 = arith.constant 0 : i32
      %dma_start3A_488 = tpu.memref_slice %arg7[%rem3A_268, %dma_start3A_483, %dma_start3A_485, %dma_start3A_486, %dma_start3A_487] : memref<2x8x2x8x128xf32, #tpu.memory_space<vmem>> -> memref<1x1x2x8x128xf32, #tpu.memory_space<vmem>>
      %dma_start3A_489 = tpu.memref_squeeze %dma_start3A_488 : memref<1x1x2x8x128xf32, #tpu.memory_space<vmem>> -> memref<2x8x128xf32, #tpu.memory_space<vmem>>
      %dma_start3A_490 = arith.constant 0 : i32
      %dma_start3A_491 = arith.constant 0 : i32
      %dma_start3A_492 = tpu.memref_slice %arg4[%select_n3A, %dma_start3A_484, %select_n3A_319, %dma_start3A_490, %dma_start3A_491] : memref<50x8x128x8x128xf32, #tpu.memory_space<hbm>> -> memref<1x1x2x8x128xf32, #tpu.memory_space<hbm>>
      %dma_start3A_493 = tpu.memref_squeeze %dma_start3A_492 : memref<1x1x2x8x128xf32, #tpu.memory_space<hbm>> -> memref<2x8x128xf32, #tpu.memory_space<hbm>>
      %dma_start3A_494 = tpu.memref_slice %arg9[%rem3A_268] : memref<2x!tpu.dma_semaphore, #tpu.memory_space<semaphore_mem>> -> memref<1x!tpu.dma_semaphore, #tpu.memory_space<semaphore_mem>>
      %dma_start3A_495 = tpu.memref_squeeze %dma_start3A_494 : memref<1x!tpu.dma_semaphore, #tpu.memory_space<semaphore_mem>> -> memref<!tpu.dma_semaphore, #tpu.memory_space<semaphore_mem>>
      %dma_start3A_496 = arith.constant 0 : i32
      %dma_start3A_497 = arith.constant 0 : i32
      %dma_start3A_498 = tpu.memref_slice %arg4[%select_n3A, %dma_start3A_484, %select_n3A_319, %dma_start3A_496, %dma_start3A_497] : memref<50x8x128x8x128xf32, #tpu.memory_space<hbm>> -> memref<1x1x2x8x128xf32, #tpu.memory_space<hbm>>
      %dma_start3A_499 = tpu.memref_squeeze %dma_start3A_498 : memref<1x1x2x8x128xf32, #tpu.memory_space<hbm>> -> memref<2x8x128xf32, #tpu.memory_space<hbm>>
      %dma_start3A_500 = arith.constant 0 : i32
      %dma_start3A_501 = arith.constant 0 : i32
      %dma_start3A_502 = arith.constant 0 : i32
      %dma_start3A_503 = tpu.memref_slice %arg7[%rem3A_268, %dma_start3A_483, %dma_start3A_500, %dma_start3A_501, %dma_start3A_502] : memref<2x8x2x8x128xf32, #tpu.memory_space<vmem>> -> memref<1x1x2x8x128xf32, #tpu.memory_space<vmem>>
      %dma_start3A_504 = tpu.memref_squeeze %dma_start3A_503 : memref<1x1x2x8x128xf32, #tpu.memory_space<vmem>> -> memref<2x8x128xf32, #tpu.memory_space<vmem>>
      tpu.enqueue_dma source(%dma_start3A_504 : memref<2x8x128xf32, #tpu.memory_space<vmem>>) target(%dma_start3A_499 : memref<2x8x128xf32, #tpu.memory_space<hbm>>) target_semaphore(%dma_start3A_495 : memref<!tpu.dma_semaphore, #tpu.memory_space<semaphore_mem>>)
      %dma_start3A_505 = arith.constant 7 : i32
      %dma_start3A_506 = arith.constant 7 : i32
      %dma_start3A_507 = arith.constant 0 : i32
      %dma_start3A_508 = arith.constant 0 : i32
      %dma_start3A_509 = arith.constant 0 : i32
      %dma_start3A_510 = tpu.memref_slice %arg7[%rem3A_268, %dma_start3A_505, %dma_start3A_507, %dma_start3A_508, %dma_start3A_509] : memref<2x8x2x8x128xf32, #tpu.memory_space<vmem>> -> memref<1x1x2x8x128xf32, #tpu.memory_space<vmem>>
      %dma_start3A_511 = tpu.memref_squeeze %dma_start3A_510 : memref<1x1x2x8x128xf32, #tpu.memory_space<vmem>> -> memref<2x8x128xf32, #tpu.memory_space<vmem>>
      %dma_start3A_512 = arith.constant 0 : i32
      %dma_start3A_513 = arith.constant 0 : i32
      %dma_start3A_514 = tpu.memref_slice %arg4[%select_n3A, %dma_start3A_506, %select_n3A_319, %dma_start3A_512, %dma_start3A_513] : memref<50x8x128x8x128xf32, #tpu.memory_space<hbm>> -> memref<1x1x2x8x128xf32, #tpu.memory_space<hbm>>
      %dma_start3A_515 = tpu.memref_squeeze %dma_start3A_514 : memref<1x1x2x8x128xf32, #tpu.memory_space<hbm>> -> memref<2x8x128xf32, #tpu.memory_space<hbm>>
      %dma_start3A_516 = tpu.memref_slice %arg9[%rem3A_268] : memref<2x!tpu.dma_semaphore, #tpu.memory_space<semaphore_mem>> -> memref<1x!tpu.dma_semaphore, #tpu.memory_space<semaphore_mem>>
      %dma_start3A_517 = tpu.memref_squeeze %dma_start3A_516 : memref<1x!tpu.dma_semaphore, #tpu.memory_space<semaphore_mem>> -> memref<!tpu.dma_semaphore, #tpu.memory_space<semaphore_mem>>
      %dma_start3A_518 = arith.constant 0 : i32
      %dma_start3A_519 = arith.constant 0 : i32
      %dma_start3A_520 = tpu.memref_slice %arg4[%select_n3A, %dma_start3A_506, %select_n3A_319, %dma_start3A_518, %dma_start3A_519] : memref<50x8x128x8x128xf32, #tpu.memory_space<hbm>> -> memref<1x1x2x8x128xf32, #tpu.memory_space<hbm>>
      %dma_start3A_521 = tpu.memref_squeeze %dma_start3A_520 : memref<1x1x2x8x128xf32, #tpu.memory_space<hbm>> -> memref<2x8x128xf32, #tpu.memory_space<hbm>>
      %dma_start3A_522 = arith.constant 0 : i32
      %dma_start3A_523 = arith.constant 0 : i32
      %dma_start3A_524 = arith.constant 0 : i32
      %dma_start3A_525 = tpu.memref_slice %arg7[%rem3A_268, %dma_start3A_505, %dma_start3A_522, %dma_start3A_523, %dma_start3A_524] : memref<2x8x2x8x128xf32, #tpu.memory_space<vmem>> -> memref<1x1x2x8x128xf32, #tpu.memory_space<vmem>>
      %dma_start3A_526 = tpu.memref_squeeze %dma_start3A_525 : memref<1x1x2x8x128xf32, #tpu.memory_space<vmem>> -> memref<2x8x128xf32, #tpu.memory_space<vmem>>
      tpu.enqueue_dma source(%dma_start3A_526 : memref<2x8x128xf32, #tpu.memory_space<vmem>>) target(%dma_start3A_521 : memref<2x8x128xf32, #tpu.memory_space<hbm>>) target_semaphore(%dma_start3A_517 : memref<!tpu.dma_semaphore, #tpu.memory_space<semaphore_mem>>)
    }
    %scan3A_209 = arith.constant 100 : i32
    %dma_wait3A = arith.constant 0 : i32
    %dma_wait3A_210 = arith.constant 0 : i32
    %dma_wait3A_211 = arith.constant 0 : i32
    %dma_wait3A_212 = arith.constant 0 : i32
    %dma_wait3A_213 = arith.constant 0 : i32
    %dma_wait3A_214 = arith.constant 0 : i32
    %dma_wait3A_215 = arith.constant 0 : i32
    %dma_wait3A_216 = tpu.memref_slice %arg7[%dma_wait3A, %dma_wait3A_212, %dma_wait3A_213, %dma_wait3A_214, %dma_wait3A_215] : memref<2x8x2x8x128xf32, #tpu.memory_space<vmem>> -> memref<1x8x2x8x128xf32, #tpu.memory_space<vmem>>
    %dma_wait3A_217 = tpu.memref_squeeze %dma_wait3A_216 : memref<1x8x2x8x128xf32, #tpu.memory_space<vmem>> -> memref<8x2x8x128xf32, #tpu.memory_space<vmem>>
    %dma_wait3A_218 = arith.constant 0 : i32
    %dma_wait3A_219 = arith.constant 0 : i32
    %dma_wait3A_220 = arith.constant 0 : i32
    %dma_wait3A_221 = arith.constant 0 : i32
    %dma_wait3A_222 = tpu.memref_slice %arg4[%dma_wait3A_210, %dma_wait3A_218, %dma_wait3A_219, %dma_wait3A_220, %dma_wait3A_221] : memref<50x8x128x8x128xf32, #tpu.memory_space<hbm>> -> memref<1x8x2x8x128xf32, #tpu.memory_space<hbm>>
    %dma_wait3A_223 = tpu.memref_squeeze %dma_wait3A_222 : memref<1x8x2x8x128xf32, #tpu.memory_space<hbm>> -> memref<8x2x8x128xf32, #tpu.memory_space<hbm>>
    %dma_wait3A_224 = tpu.memref_slice %arg9[%dma_wait3A_211] : memref<2x!tpu.dma_semaphore, #tpu.memory_space<semaphore_mem>> -> memref<1x!tpu.dma_semaphore, #tpu.memory_space<semaphore_mem>>
    %dma_wait3A_225 = tpu.memref_squeeze %dma_wait3A_224 : memref<1x!tpu.dma_semaphore, #tpu.memory_space<semaphore_mem>> -> memref<!tpu.dma_semaphore, #tpu.memory_space<semaphore_mem>>
    %dma_wait3A_226 = arith.constant 0 : i32
    %dma_wait3A_227 = arith.constant 0 : i32
    %dma_wait3A_228 = arith.constant 0 : i32
    %dma_wait3A_229 = arith.constant 0 : i32
    %dma_wait3A_230 = tpu.memref_slice %arg4[%dma_wait3A_210, %dma_wait3A_226, %dma_wait3A_227, %dma_wait3A_228, %dma_wait3A_229] : memref<50x8x128x8x128xf32, #tpu.memory_space<hbm>> -> memref<1x8x2x8x128xf32, #tpu.memory_space<hbm>>
    %dma_wait3A_231 = tpu.memref_squeeze %dma_wait3A_230 : memref<1x8x2x8x128xf32, #tpu.memory_space<hbm>> -> memref<8x2x8x128xf32, #tpu.memory_space<hbm>>
    %dma_wait3A_232 = arith.constant 0 : i32
    %dma_wait3A_233 = arith.constant 0 : i32
    %dma_wait3A_234 = arith.constant 0 : i32
    %dma_wait3A_235 = arith.constant 0 : i32
    %dma_wait3A_236 = tpu.memref_slice %arg7[%dma_wait3A, %dma_wait3A_232, %dma_wait3A_233, %dma_wait3A_234, %dma_wait3A_235] : memref<2x8x2x8x128xf32, #tpu.memory_space<vmem>> -> memref<1x8x2x8x128xf32, #tpu.memory_space<vmem>>
    %dma_wait3A_237 = tpu.memref_squeeze %dma_wait3A_236 : memref<1x8x2x8x128xf32, #tpu.memory_space<vmem>> -> memref<8x2x8x128xf32, #tpu.memory_space<vmem>>
    tpu.wait_dma2 semaphore(%dma_wait3A_225 : memref<!tpu.dma_semaphore, #tpu.memory_space<semaphore_mem>>) src(%dma_wait3A_237 : memref<8x2x8x128xf32, #tpu.memory_space<vmem>>) dst(%dma_wait3A_231 : memref<8x2x8x128xf32, #tpu.memory_space<hbm>>)
    %dma_wait3A_238 = arith.constant 1 : i32
    %dma_wait3A_239 = arith.constant 0 : i32
    %dma_wait3A_240 = arith.constant 1 : i32
    %dma_wait3A_241 = arith.constant 0 : i32
    %dma_wait3A_242 = arith.constant 0 : i32
    %dma_wait3A_243 = arith.constant 0 : i32
    %dma_wait3A_244 = arith.constant 0 : i32
    %dma_wait3A_245 = tpu.memref_slice %arg7[%dma_wait3A_238, %dma_wait3A_241, %dma_wait3A_242, %dma_wait3A_243, %dma_wait3A_244] : memref<2x8x2x8x128xf32, #tpu.memory_space<vmem>> -> memref<1x8x2x8x128xf32, #tpu.memory_space<vmem>>
    %dma_wait3A_246 = tpu.memref_squeeze %dma_wait3A_245 : memref<1x8x2x8x128xf32, #tpu.memory_space<vmem>> -> memref<8x2x8x128xf32, #tpu.memory_space<vmem>>
    %dma_wait3A_247 = arith.constant 0 : i32
    %dma_wait3A_248 = arith.constant 0 : i32
    %dma_wait3A_249 = arith.constant 0 : i32
    %dma_wait3A_250 = arith.constant 0 : i32
    %dma_wait3A_251 = tpu.memref_slice %arg4[%dma_wait3A_239, %dma_wait3A_247, %dma_wait3A_248, %dma_wait3A_249, %dma_wait3A_250] : memref<50x8x128x8x128xf32, #tpu.memory_space<hbm>> -> memref<1x8x2x8x128xf32, #tpu.memory_space<hbm>>
    %dma_wait3A_252 = tpu.memref_squeeze %dma_wait3A_251 : memref<1x8x2x8x128xf32, #tpu.memory_space<hbm>> -> memref<8x2x8x128xf32, #tpu.memory_space<hbm>>
    %dma_wait3A_253 = tpu.memref_slice %arg9[%dma_wait3A_240] : memref<2x!tpu.dma_semaphore, #tpu.memory_space<semaphore_mem>> -> memref<1x!tpu.dma_semaphore, #tpu.memory_space<semaphore_mem>>
    %dma_wait3A_254 = tpu.memref_squeeze %dma_wait3A_253 : memref<1x!tpu.dma_semaphore, #tpu.memory_space<semaphore_mem>> -> memref<!tpu.dma_semaphore, #tpu.memory_space<semaphore_mem>>
    %dma_wait3A_255 = arith.constant 0 : i32
    %dma_wait3A_256 = arith.constant 0 : i32
    %dma_wait3A_257 = arith.constant 0 : i32
    %dma_wait3A_258 = arith.constant 0 : i32
    %dma_wait3A_259 = tpu.memref_slice %arg4[%dma_wait3A_239, %dma_wait3A_255, %dma_wait3A_256, %dma_wait3A_257, %dma_wait3A_258] : memref<50x8x128x8x128xf32, #tpu.memory_space<hbm>> -> memref<1x8x2x8x128xf32, #tpu.memory_space<hbm>>
    %dma_wait3A_260 = tpu.memref_squeeze %dma_wait3A_259 : memref<1x8x2x8x128xf32, #tpu.memory_space<hbm>> -> memref<8x2x8x128xf32, #tpu.memory_space<hbm>>
    %dma_wait3A_261 = arith.constant 0 : i32
    %dma_wait3A_262 = arith.constant 0 : i32
    %dma_wait3A_263 = arith.constant 0 : i32
    %dma_wait3A_264 = arith.constant 0 : i32
    %dma_wait3A_265 = tpu.memref_slice %arg7[%dma_wait3A_238, %dma_wait3A_261, %dma_wait3A_262, %dma_wait3A_263, %dma_wait3A_264] : memref<2x8x2x8x128xf32, #tpu.memory_space<vmem>> -> memref<1x8x2x8x128xf32, #tpu.memory_space<vmem>>
    %dma_wait3A_266 = tpu.memref_squeeze %dma_wait3A_265 : memref<1x8x2x8x128xf32, #tpu.memory_space<vmem>> -> memref<8x2x8x128xf32, #tpu.memory_space<vmem>>
    tpu.wait_dma2 semaphore(%dma_wait3A_254 : memref<!tpu.dma_semaphore, #tpu.memory_space<semaphore_mem>>) src(%dma_wait3A_266 : memref<8x2x8x128xf32, #tpu.memory_space<vmem>>) dst(%dma_wait3A_260 : memref<8x2x8x128xf32, #tpu.memory_space<hbm>>)
    return
  }
}

</mosaic_0001>

<sc_bundles>
// kernel: kernel.3.cloned.1.call-start
scs
__scs_entry_jumppad:
0x0: {  	(pc) =	sbr.rel $0x88, $3  }
0x1: {  	(tag) =	ssettag $0x0;
	lr =	simm.s32 $0x1  }
0x2: {  	[smem:$0x3F9F] =	sst lr;
	_ =	strace $0xD0000000  }
0x3: {  	_ = 	snop  }
0x4: {  	_ = 	snop  }
0x5: {  	_ = 	snop  }
0x6: {  	_ = 	snop  }
0x7: {  	_ = 	snop  }
__scs_overlays_trampoline_lowered:
0x8: {  	[smem:$0x3FAE] =	sst s0  }
0x9: {  	[smem:$0x3FAF] =	sst s1  }
0xa: {  	[smem:$0x3FB0] =	sst s2  }
0xb: {  	[smem:$0x3FB1] =	sst s3  }
0xc: {  	[smem:$0x3FB2] =	sst s4  }
0xd: {  	[smem:$0x3FB3] =	sst s5  }
0xe: {  	[smem:$0x3FB4] =	sst s6  }
0xf: {  	[smem:$0x3FB5] =	sst s7  }
0x10: {  	[smem:$0x3FB6] =	sst s8  }
0x11: {  	[smem:$0x3FB7] =	sst s9;
	s0 =	simm.s32 @!p0 $0x0  }
0x12: {  	s1 =	sld [smem:$0x3F9D];
	s0 =	simm.s32 @p0 $0x1  }
0x13: {  	[smem:$0x3FB8] =	sst s0;
	s0 =	simm.s32 @!p1 $0x0  }
0x14: {  	s2 =	sld [smem:$0x3F9C];
	s0 =	simm.s32 @p1 $0x1  }
0x15: {  	[smem:$0x3FB9] =	sst s0;
	s0 =	simm.s32 @!p2 $0x0  }
0x16: {  	s3 =	sld [smem:$0x3FDB];
	s0 =	simm.s32 @p2 $0x1  }
0x17: {  	s4 =	simm.s32 $0x1BF5;
	[smem:$0x3FBB] =	sst s0  }
0x18: {  	s0 =	sld [smem:$0x3F9E];
	_ =	swait.ge [sflag:s4], $0x0  }
0x19: {  	s7 =	sld [smem:$0x3F9F]  }
0x1a: {  	s8 =	sadd.s32 $0xFFFFE003, lr  }
0x1b: {  	s9 =	sadd.s32 $0xFFFFFEF7, lr;
	s5 =	simm.s32 $0xFFFFFFFF;
	p2 =	slt.u32 s8, $0xFFFFF086  }
0x1c: {  	p1 =	slt.u32 s9, $0xF7A;
	s5 =	simm.s32 @!p2 $0x0  }
0x1d: {  	s5 =	simm.s32 @p1 $0x1;
	p0 =	seq.s32 s7, s2  }
0x1e: {  	s7 =	smul.u32 @!p0 $0xF7A, s2;
	p2 =	seq.s32 @!p0 s5, $0x0  }
0x1f: {  	s9 =	smul.u32 $0xF7A, s1;
	s8 =	simm.s32 @!p0 $0x1BF5;
	p2 =	por !p2, p0  }
0x20: {  	[sflag:s8] =	ssyncset.s32 @!p0 $0xFFFFF086;
	s6 =	sadd.s32 @!p0 s3, s7;
	s7 =	simm.s32 @!p0 $0x108  }
0x21: {  	s3 =	sadd.s32 s3, s9;
	s6 =	sadd.s32 @!p0 $0x88, s6;
	s7 =	simm.s32 @p2 $0x1082  }
0x22: {  	[simem:s7], [sflag:s8] =	dma.local @!p0 [hbm:s6], $0xF7A  }
0x23: {  	s9 =	sor.u32 $0xD0000000, s2;
	s6 =	simm.s32 $0x108;
	_ =	swait.ge @!p0 [sflag:s8], $0x0  }
0x24: {  	s3 =	sadd.s32 $0x88, s3;
	s6 =	simm.s32 @!p1 $0x1082;
	[sflag:s4] =	ssyncset.s32 $0xFFFFF086  }
0x25: {  	[simem:s6], [sflag:s4] =	dma.local [hbm:s3], $0xF7A  }
0x26: {  	[smem:$0x3F9F] =	sst s1;
	(tag) =	ssettag s2;
	_ =	strace s9  }
0x27: {  	s1 =	sld [smem:$0x3FAF]  }
0x28: {  	s2 =	sld [smem:$0x3FB0]  }
0x29: {  	s4 =	sld [smem:$0x3FB2]  }
0x2a: {  	p0 =	seq.s32 s5, $0x0;
	s5 =	sld [smem:$0x3FB3]  }
0x2b: {  	s6 =	sld [smem:$0x3FB4]  }
0x2c: {  	s7 =	sld [smem:$0x3FB5]  }
0x2d: {  	s3 =	simm.s32 $0x108;
	s8 =	sld [smem:$0x3FB6]  }
0x2e: {  	s3 =	simm.s32 @!p0 $0x1082;
	s9 =	sld [smem:$0x3FB7]  }
0x2f: {  	lr =	sadd.s32 s0, s3;
	s0 =	sld [smem:$0x3FAE]  }
0x30: {  	s3 =	sld [smem:$0x3FB1]  }
0x31: {  	[smem:$0x3FBA] =	sst s10  }
0x32: {  	s10 =	sld [smem:$0x3FB8];
	_ =	sdelay $0x3  }
0x33: {  	p0 =	seq.s32 s10, $0x1;
	s10 =	sld [smem:$0x3FBA];
	_ =	sdelay $0x3  }
0x34: {  	[smem:$0x3FBA] =	sst s10  }
0x35: {  	s10 =	sld [smem:$0x3FB9];
	_ =	sdelay $0x3  }
0x36: {  	p1 =	seq.s32 s10, $0x1;
	s10 =	sld [smem:$0x3FBA];
	_ =	sdelay $0x3  }
0x37: {  	[smem:$0x3FBA] =	sst s10  }
0x38: {  	s10 =	sld [smem:$0x3FBB]  }
0x39: {  	_ = 	snop;
	(pc) =	sbr.ind lr, $3  }
0x3a: {  	_ = 	snop  }
0x3b: {  	_ = 	snop  }
0x3c: {  	p2 =	seq.s32 s10, $0x1;
	s10 =	sld [smem:$0x3FBA]  }
0x3d: {  	_ =	shalt  }
0x3e: {  	_ =	shalt  }
0x3f: {  	_ =	shalt  }
0x40: {  	_ =	shalt  }
0x41: {  	_ =	shalt  }
0x42: {  	_ =	shalt  }
0x43: {  	_ =	shalt  }
0x44: {  	_ =	shalt  }
0x45: {  	_ =	shalt  }
0x46: {  	_ =	shalt  }
0x47: {  	_ =	shalt  }
0x48: {  	_ =	shalt  }
0x49: {  	_ =	shalt  }
0x4a: {  	_ =	shalt  }
0x4b: {  	_ =	shalt  }
0x4c: {  	_ =	shalt  }
0x4d: {  	_ =	shalt  }
0x4e: {  	_ =	shalt  }
0x4f: {  	_ =	shalt  }
0x50: {  	_ =	shalt  }
0x51: {  	_ =	shalt  }
0x52: {  	_ =	shalt  }
0x53: {  	_ =	shalt  }
0x54: {  	_ =	shalt  }
0x55: {  	_ =	shalt  }
0x56: {  	_ =	shalt  }
0x57: {  	_ =	shalt  }
0x58: {  	_ =	shalt  }
0x59: {  	_ =	shalt  }
0x5a: {  	_ =	shalt  }
0x5b: {  	_ =	shalt  }
0x5c: {  	_ =	shalt  }
0x5d: {  	_ =	shalt  }
0x5e: {  	_ =	shalt  }
0x5f: {  	_ =	shalt  }
0x60: {  	_ =	shalt  }
0x61: {  	_ =	shalt  }
0x62: {  	_ =	shalt  }
0x63: {  	_ =	shalt  }
0x64: {  	_ =	shalt  }
0x65: {  	_ =	shalt  }
0x66: {  	_ =	shalt  }
0x67: {  	_ =	shalt  }
0x68: {  	_ =	shalt  }
0x69: {  	_ =	shalt  }
0x6a: {  	_ =	shalt  }
0x6b: {  	_ =	shalt  }
0x6c: {  	_ =	shalt  }
0x6d: {  	_ =	shalt  }
0x6e: {  	_ =	shalt  }
0x6f: {  	_ =	shalt  }
0x70: {  	_ =	shalt  }
0x71: {  	_ =	shalt  }
0x72: {  	_ =	shalt  }
0x73: {  	_ =	shalt  }
0x74: {  	_ =	shalt  }
0x75: {  	_ =	shalt  }
0x76: {  	_ =	shalt  }
0x77: {  	_ =	shalt  }
0x78: {  	_ =	shalt  }
0x79: {  	_ =	shalt  }
0x7a: {  	_ =	shalt  }
0x7b: {  	_ =	shalt  }
0x7c: {  	_ =	shalt  }
0x7d: {  	_ =	shalt  }
0x7e: {  	_ =	shalt  }
0x7f: {  	_ =	shalt  }
0x80: {  	_ =	shalt  }
0x81: {  	_ =	shalt  }
0x82: {  	_ =	shalt  }
0x83: {  	_ =	shalt  }
0x84: {  	_ =	shalt  }
0x85: {  	_ =	shalt  }
0x86: {  	_ =	shalt  }
0x87: {  	_ =	shalt  }
.Lfunc_end0:
.L_simem_size_0:
called_computation_lowered:
.L_overlay_start_0:
0x88: {  	s2 =	sld [smem:$0x3FD9]  }
0x89: {  	s3 =	sld [smem:$0x3FFE];
	_ =	sdelay $0x1  }
0x8a: {  	s1 =	srdreg.scid  }
0x8b: {  	s0 =	sand.u32 $0x1, s1  }
0x8c: {  	s17 =	sshll.u32 s0, $0xA;
	s2 =	sadd.s32 s3, s2  }
0x8d: {  	s2 =	sadd.s32 s2, s17  }
0x8e: {  	[smem:$0x3FC6] =	sst s2  }
0x8f: {  	_ = 	snop  }
0x90: {  	s2 =	sld [smem:$0x3FD0];
	(tm) =	ssettm $0x1  }
0x91: {  	s18 =	sld [smem:$0x3FFB];
	_ =	sdelay $0x3  }
0x92: {  	_ =	strace s18  }
0x93: {  	s3 =	sld [smem:$0x3FFC];
	_ =	sdelay $0x3  }
0x94: {  	_ =	strace s3  }
0x95: {  	s3 =	sld [smem:$0x3FFD];
	_ =	sdelay $0x3  }
0x96: {  	_ =	strace s3  }
0x97: {  	_ =	strace $0x8FFFFFFF  }
0x98: {  	s19 =	sld [smem:$0x3FDB];
	_ =	sdelay $0x1  }
0x99: {  	s4 =	simm.s32 $_scs_section_size  }
0x9a: {  	s5 =	simm.s32 $_size__tile_overlayer_lowered;
	s6 =	simm.s32 $_tile_overlayer_lowered  }
0x9b: {  	s22 =	simm.s32 $0x1BFF;
	s21 =	sshll.u32 s6, $0x1;
	s3 =	sadd.s32 s4, s19  }
0x9c: {  	s7 =	simm.s32 $0x0;
	s20 =	sshll.u32 s5, $0x1;
	s5 =	sadd.s32 s21, s3  }
0x9d: {  	[timem:s7], [sflag:s22] =	dma.local [hbm:s5], s20  }
0x9e: {  	_ =	swait.ge [sflag:s22], s20  }
0x9f: {  	s4 =	ssub.s32 $0x0, s20;
	[sflag:s22] =	ssyncset.done $0x0  }
0xa0: {  	[sflag:s22] =	ssyncadd.s32 s4;
	_ =	sdelay $0x1  }
0xa1: {  	s23 =	simm.s32 $0x1B8B  }
0xa2: {  	_ =	swait.ge [sflag:s23], $0x1  }
0xa3: {  	[sflag:s23] =	ssyncset.done $0x0  }
0xa4: {  	s25 =	simm.s32 $0x1B8E;
	s24 =	sld [smem:$0x3FFE];
	[sflag:s23] =	ssyncadd.s32 $0xFFFFFFFF  }
0xa5: {  	s26 =	simm.s32 $execute0_lowered;
	[smem:$0x3FD2] =	sst s25  }
0xa6: {  	s5 =	sshll.u32 s26, $0x1;
	_ =	strace $0x80000046;
	[dreg:$0x1] =	wrdreg $0xFFFFFFFF  }
0xa7: {  	s28 =	simm.s32 $_size_execute0_lowered;
	s3 =	sadd.s32 s3, s5;
	[dreg:$0x0] =	wrdreg $0x0  }
0xa8: {  	s5 =	sshll.u32 s28, $0x1;
	[dreg:$0x2] =	wrdreg s3  }
0xa9: {  	[dreg:$0x3] =	wrdreg s5  }
0xaa: {  	[dreg:$0x4] =	wrdreg $0xC0  }
0xab: {  	_ =	task [dreg:s7], $0x5FFFF  }
0xac: {  	[dreg:$0x1] =	wrdreg $0xFFFFFFFF  }
0xad: {  	[dreg:$0x0] =	wrdreg $0x60  }
0xae: {  	[dreg:$0x2] =	wrdreg s24  }
0xaf: {  	[dreg:$0x3] =	wrdreg s2  }
0xb0: {  	[dreg:$0x4] =	wrdreg $0x9  }
0xb1: {  	_ =	task.clear_ibuf [dreg:s7], $0x5FFFF;
	_ =	strace $0x90000046  }
0xb2: {  	s29 =	simm.s32 $0x9;
	_ =	strace $0x80000048  }
0xb3: {  	_ =	swait.ge [sflag:s29], $0x1  }
0xb4: {  	[sflag:s29] =	ssyncadd.s32 $0xFFFFFFFF  }
0xb5: {  	_ =	strace $0x90000048  }
0xb6: {  	_ =	sfence  }
0xb7: {  	s30 =	sld [smem:$0x0];
	_ =	sdelay $0x2  }
0xb8: {  	s31 =	sshll.u32 s1, $0xD;
	s1 =	sshrl.u32 s1, $0x2  }
0xb9: {  	s3 =	sand.u32 $0x4000, s31;
	s1 =	sadd.s32 s1, s30  }
0xba: {  	s0 =	sor.u32 s3, s0;
	s1 =	sshll.u32 s1, $0x11  }
0xbb: {  	s0 =	sor.u32 s1, s0  }
0xbc: {  	s0 =	sadd.s32 $0x8F2B, s0  }
0xbd: {  	[sflag:s0] =	ssyncadd.remote.s32 $0x1  }
0xbe: {  	_ =	sfence.sel $0xFFFF  }
0xbf: {  	[dreg:$0x0] =	wrdreg $0xFFFFFFFF;
	(pc) =	sbr.abs _section_cstart, $3  }
0xc0: {  	[dreg:$0x1] =	wrdreg $0xFFFFFFFF  }
0xc1: {  	_ =	task.clear_ibuf [dreg:s7], $0x2FFFF;
	_ =	strace $0x9FFFFFFF  }
0xc2: {  	(tm) =	ssettm $0x7FFFFFFF  }
0xc3: {  	_ =	shalt  }
tec
execute0_lowered:
.L_overlay_start_1:
0x0: {  	(tag) =	ssettag $0x1  }
0x1: {  	v0 =	vlaneseq.u32;
	v9 =	vimm.s32 $0x800  }
0x2: {  	vm0 =	vcmask $0x2304;
	vm1 =	vcmask $0x2708;
	vm2 =	vcmask $0x2B0C  }
0x3: {  	vm3 =	vcmask $0x2F10;
	vm4 =	vcmask $0x3314;
	vm5 =	vcmask $0x3718  }
0x4: {  	vm6 =	vcmask $0x3B1C;
	v16 =	vimm.s32 $0x0;
	v15 =	vimm.s32 $0xFEDCBA9  }
0x5: {  	v20 =	vimm.s32 $0x87654321;
	vm13 =	vcmask $0x300;
	vm12 =	vcmask $0x704  }
0x6: {  	vm11 =	vcmask $0xB08;
	vm10 =	vcmask $0xF0C;
	vm9 =	vcmask $0x1310  }
0x7: {  	vm8 =	vcmask $0x1714;
	vm7 =	vcmask $0x1B18;
	v23 =	vimm.s32 $0x87  }
0x8: {  	vm14 =	vcmask $0x2F2C;
	vm15 =	vcmask $0x3330;
	v24 =	vimm.s32 $0x10FEDCBA  }
0x9: {  	v25 =	vimm.s32 $0x98765432;
	v27 =	vimm.s32 $0xA9876543;
	v29 =	vimm.s32 $0xBA987654  }
0xa: {  	v30 =	vimm.s32 $0x207;
	v31 =	vimm.s32 $0xCBA98765;
	v51 =	vimm.s32 $0xDCBA9876  }
0xb: {  	v53 =	vimm.s32 $0x307;
	v56 =	vimm.s32 $0x6543210F;
	v47 =	vimm.s32 $0xEDCBA987  }
0xc: {  	v57 =	vimm.s32 $0xFEDCBA98;
	v49 =	vimm.s32 $0x76543210;
	v1 =	vmul.u32 $0x40, v0  }
0xd: {  	v17 =	vshrl.u32 v0, $0x3;
	v3 =	vsel vm0, $0x0, v9;
	v4 =	vsel vm1, $0x0, v9  }
0xe: {  	v5 =	vsel vm2, $0x0, v9;
	v6 =	vsel vm3, $0x0, v9;
	v7 =	vsel vm4, $0x0, v9  }
0xf: {  	v8 =	vsel vm5, $0x0, v9;
	v9 =	vsel vm6, $0x0, v9;
	v10 =	vsel vm0, $0x800, v16  }
0x10: {  	v11 =	vsel vm1, $0x800, v16;
	v12 =	vsel vm2, $0x800, v16;
	v13 =	vsel vm3, $0x800, v16  }
0x11: {  	v14 =	vsel vm4, $0x800, v16;
	v19 =	vunpack.c.l.s4.s8 v15;
	v15 =	vsel vm5, $0x800, v16  }
0x12: {  	v16 =	vsel vm6, $0x800, v16;
	v20 =	vunpack.c.l.s4.s8 v20;
	vm0 =	vcmask $0x3B38  }
0x13: {  	vm1 =	vcmask $0x3734;
	vm6 =	vcmask $0x2320;
	vm5 =	vcmask $0x2724  }
0x14: {  	v23 =	vsel vm13, $0x100, v23;
	vm4 =	vcmask $0x2B28;
	v24 =	vunpack.c.l.s4.s8 v24  }
0x15: {  	v25 =	vunpack.c.l.s4.s8 v25;
	v27 =	vunpack.c.l.s4.s8 v27;
	v29 =	vunpack.c.l.s4.s8 v29  }
0x16: {  	v47 =	vunpack.c.l.s4.s8 v47;
	v49 =	vunpack.c.l.s4.s8 v49;
	v2 =	vmul.u32 $0x8, v17  }
0x17: {  	v18 =	vmul.u32 $0xFFFFF800, v17;
	v17 =	vmul.u32 $0x800, v17;
	v23 =	vsel vm12, $0x181, v23  }
0x18: {  	v35 =	vunpack.c.0.s8.s32 v19;
	v36 =	vunpack.c.0.s8.s32 v20;
	v20 =	vimm.s32 $0x7  }
0x19: {  	v19 =	vand.u32 $0x7, v0;
	v23 =	vsel vm11, $0x202, v23;
	v37 =	vunpack.c.0.s8.s32 v24  }
0x1a: {  	v24 =	vimm.s32 $0x107;
	v38 =	vunpack.c.0.s8.s32 v25;
	v40 =	vunpack.c.0.s8.s32 v27  }
0x1b: {  	v42 =	vunpack.c.0.s8.s32 v29;
	v47 =	vunpack.c.0.s8.s32 v47;
	v49 =	vunpack.c.0.s8.s32 v49  }
0x1c: {  	v18 =	vadd.s32 $0x800, v18;
	v20 =	vsel vm13, $0x80, v20;
	v23 =	vsel vm10, $0x283, v23  }
0x1d: {  	v24 =	vsel vm13, $0x180, v24;
	v21 =	vcombine.low v36, v35;
	v22 =	vsel vm12, $0x101, v20  }
0x1e: {  	v20 =	vmul.u32 $0x80, v19;
	v23 =	vsel vm9, $0x304, v23;
	v24 =	vsel vm12, $0x201, v24  }
0x1f: {  	v25 =	vcombine.low v38, v37;
	v59 =	vcombine.low v35, v36;
	v22 =	vsel vm11, $0x182, v22  }
0x20: {  	v38 =	vcombine.low v37, v38;
	v23 =	vsel vm8, $0x385, v23;
	v22 =	vsel vm10, $0x203, v22  }
0x21: {  	v36 =	vmul.u32 $0x81, v19;
	v23 =	vsel vm7, $0x6, v23;
	v22 =	vsel vm9, $0x284, v22  }
0x22: {  	v21 =	vand.u32 $0xF, v21;
	v23 =	vsel vm6, $0x100, v23;
	v22 =	vsel vm8, $0x305, v22  }
0x23: {  	v37 =	vand.u32 $0xF, v59;
	v23 =	vsel vm5, $0x181, v23;
	v22 =	vsel vm7, $0x386, v22  }
0x24: {  	v38 =	vand.u32 $0xF, v38;
	v23 =	vsel vm4, $0x202, v23;
	v22 =	vsel vm6, $0x80, v22  }
0x25: {  	v26 =	vsel vm14, $0x283, v23;
	v23 =	vsel vm11, $0x282, v24;
	v24 =	vimm.s32 $0x210FEDCB  }
0x26: {  	v22 =	vsel vm5, $0x101, v22;
	v23 =	vsel vm10, $0x303, v23;
	v24 =	vunpack.c.l.s4.s8 v24  }
0x27: {  	v22 =	vsel vm4, $0x182, v22;
	v28 =	vsel vm9, $0x384, v23;
	v23 =	vand.u32 $0xF, v25  }
0x28: {  	v25 =	vsel vm15, $0x304, v26;
	v26 =	vsel vm8, $0x5, v28;
	v39 =	vunpack.c.0.s8.s32 v24  }
0x29: {  	v22 =	vsel vm14, $0x203, v22;
	v25 =	vsel vm1, $0x385, v25;
	v24 =	vsel vm7, $0x86, v26  }
0x2a: {  	v26 =	vimm.s32 $0x187;
	v24 =	vsel vm6, $0x180, v24;
	v27 =	vcombine.low v40, v39  }
0x2b: {  	v26 =	vsel vm13, $0x200, v26;
	v28 =	vsel vm5, $0x201, v24;
	v24 =	vsel vm0, $0x6, v25  }
0x2c: {  	v26 =	vsel vm12, $0x281, v26;
	v28 =	vsel vm4, $0x282, v28;
	v25 =	vand.u32 $0xF, v27  }
0x2d: {  	v26 =	vsel vm11, $0x302, v26;
	v27 =	vsel vm14, $0x303, v28;
	v28 =	vimm.s32 $0x3210FEDC  }
0x2e: {  	v22 =	vsel vm15, $0x284, v22;
	v26 =	vsel vm10, $0x383, v26;
	v28 =	vunpack.c.l.s4.s8 v28  }
0x2f: {  	v22 =	vsel vm1, $0x305, v22;
	v39 =	vcombine.low v39, v40;
	v26 =	vsel vm9, $0x4, v26  }
0x30: {  	v26 =	vsel vm8, $0x85, v26;
	v41 =	vunpack.c.0.s8.s32 v28;
	v28 =	vsel vm13, $0x280, v30  }
0x31: {  	v27 =	vsel vm15, $0x384, v27;
	v26 =	vsel vm7, $0x106, v26;
	v28 =	vsel vm12, $0x301, v28  }
0x32: {  	v27 =	vsel vm1, $0x5, v27;
	v26 =	vsel vm6, $0x200, v26;
	v28 =	vsel vm11, $0x382, v28  }
0x33: {  	v26 =	vsel vm5, $0x281, v26;
	v29 =	vcombine.low v42, v41;
	v28 =	vsel vm10, $0x3, v28  }
0x34: {  	v30 =	vsel vm4, $0x302, v26;
	v26 =	vsel vm0, $0x86, v27;
	v28 =	vsel vm9, $0x84, v28  }
0x35: {  	v30 =	vsel vm14, $0x383, v30;
	v27 =	vand.u32 $0xF, v29;
	v28 =	vsel vm8, $0x105, v28  }
0x36: {  	v29 =	vsel vm15, $0x4, v30;
	v30 =	vimm.s32 $0x43210FED;
	v28 =	vsel vm7, $0x186, v28  }
0x37: {  	v29 =	vsel vm1, $0x85, v29;
	v30 =	vunpack.c.l.s4.s8 v30;
	v32 =	vsel vm6, $0x280, v28  }
0x38: {  	v28 =	vsel vm0, $0x106, v29;
	v29 =	vunpack.c.l.s4.s8 v31;
	v31 =	vsel vm5, $0x301, v32  }
0x39: {  	v43 =	vunpack.c.0.s8.s32 v30;
	v30 =	vsel vm4, $0x382, v31;
	v31 =	vimm.s32 $0x287  }
0x3a: {  	v44 =	vunpack.c.0.s8.s32 v29;
	v29 =	vsel vm14, $0x3, v30;
	v30 =	vsel vm13, $0x300, v31  }
0x3b: {  	v22 =	vsel vm0, $0x386, v22;
	v39 =	vand.u32 $0xF, v39;
	v30 =	vsel vm12, $0x381, v30  }
0x3c: {  	v60 =	vcombine.low v41, v42;
	v31 =	vimm.s32 $0x543210FE;
	v30 =	vsel vm11, $0x2, v30  }
0x3d: {  	v31 =	vunpack.c.l.s4.s8 v31;
	v34 =	vsel vm15, $0x84, v29;
	v29 =	vsel vm10, $0x83, v30  }
0x3e: {  	v32 =	vunpack.c.l.s4.s8 v51;
	v33 =	vcombine.low v44, v43;
	v30 =	vsel vm9, $0x104, v29  }
0x3f: {  	v61 =	vcombine.low v43, v44;
	v45 =	vunpack.c.0.s8.s32 v31;
	v30 =	vsel vm8, $0x185, v30  }
0x40: {  	v31 =	vsel vm1, $0x105, v34;
	v34 =	vsel vm13, $0x380, v53;
	v52 =	vsel vm7, $0x206, v30  }
0x41: {  	v29 =	vand.u32 $0xF, v33;
	v55 =	vsel vm12, $0x1, v34;
	v33 =	vsel vm6, $0x300, v52  }
0x42: {  	s1 =	srdreg.scid;
	v46 =	vunpack.c.0.s8.s32 v32;
	v54 =	vsel vm5, $0x381, v33;
	v33 =	vsel vm11, $0x82, v55  }
0x43: {  	s0 =	stileid.u32;
	s5 =	rddreg [dreg:$0x0];
	v40 =	vand.u32 $0xF, v60;
	v41 =	vand.u32 $0xF, v61;
	v33 =	vsel vm10, $0x103, v33  }
0x44: {  	s4 =	simm.s32 $0x0;
	s15 =	simm.s32 $0x5;
	s16 =	simm.s32 $0x100;
	v34 =	vunpack.c.l.s4.s8 v56;
	v32 =	vcombine.low v46, v45;
	v33 =	vsel vm9, $0x184, v33  }
0x45: {  	s17 =	simm.s32 $0x6400;
	s18 =	simm.s32 $0xE400;
	s19 =	simm.s32 $0x3;
	v62 =	vcombine.low v45, v46;
	v30 =	vsel vm0, $0x186, v31;
	v33 =	vsel vm8, $0x205, v33  }
0x46: {  	s20 =	simm.s32 $0x4;
	s1 =	sand.u32 $0x1, s1;
	s2 =	sshll.u32 s0, $0x1;
	v48 =	vunpack.c.0.s8.s32 v34;
	v34 =	vunpack.c.l.s4.s8 v57;
	v33 =	vsel vm7, $0x286, v33  }
0x47: {  	s21 =	simm.s32 $0x0;
	[smem:$0x7FF] =	sst s4;
	s3 =	sor.u32 s1, s2;
	v31 =	vand.u32 $0xF, v32;
	v42 =	vand.u32 $0xF, v62;
	v33 =	vsel vm6, $0x380, v33  }
0x48: {  	s2 =	rddreg [dreg:$0x1];
	s1 =	ssub.s32 $0x2, s1;
	_ =	strace $0x80000047;
	v50 =	vcombine.low v47, v48;
	v34 =	vunpack.c.0.s8.s32 v34;
	v33 =	vsel vm5, $0x1, v33  }
0x49: {  	s3 =	smul.u32 $0x6400, s3;
	s7 =	sshrl.u32 s1, $0x1;
	s8 =	sadd.s32 $0x8000, s2;
	v63 =	vcombine.low v48, v47;
	v32 =	vsel vm4, $0x2, v54;
	v33 =	vsel vm4, $0x82, v33  }
0x4a: {  	s9 =	sadd.s32 $0xC000, s2;
	s10 =	sadd.s32 $0x10000, s2;
	s11 =	sadd.s32 $0x14000, s2;
	v32 =	vsel vm14, $0x83, v32;
	v34 =	vand.u32 $0xF, v34;
	v51 =	vsel vm14, $0x103, v33  }
0x4b: {  	s12 =	sadd.s32 $0x18000, s2;
	s13 =	sadd.s32 $0x1C000, s2;
	s6 =	sshrl.u32 s3, $0x3;
	v43 =	vand.u32 $0xF, v63;
	v32 =	vsel vm15, $0x104, v32;
	v58 =	vsel vm15, $0x184, v51  }
0x4c: {  	s1 =	ssub.s32 s1, s7;
	s7 =	sadd.s32 $0x4000, s2;
	s6 =	sadd.s32 s6, s5;
	v32 =	vsel vm1, $0x185, v32;
	v33 =	vand.u32 $0xF, v50;
	v50 =	vsel vm1, $0x205, v58  }
0x4d: {  	s14 =	smax.u32 s1, $0x1;
	s5 =	sadd.s32 $0xF42A00, s5;
	s6 =	sadd.s32 $0x600, s6;
	v34 =	vcombine.low v34, v49;
	v32 =	vsel vm0, $0x206, v32;
	v35 =	vsel vm0, $0x286, v50  }
.LBB2_1:
0x4e: {  	[tilespmem:s4], [sflag:$0x5] =	stream.linear.gather [hbm4b:s6+s4], $0x6400, $0x38;
	[tilespmem:$0x16400] =	vst v63  }
0x4f: {  	_ =	swait.ge [sflag:s15], $0x6400  }
0x50: {  	[sflag:s15] =	ssyncset.done $0x0  }
0x51: {  	s22 =	simm.s32 $0x0;
	[sflag:s15] =	ssyncadd.s32 $0xFFFF9C00  }
0x52: {  	[tilespmem:s17], [sflag:$0x1] =	stream.indirect.gather [hbm4b:s5+s16], $0x40, s4, s16, $0xb8;
	[tilespmem:$0x16400] =	vst v63  }
.LBB2_2:
0x53: {  	s1 =	smov.u32 s22  }
0x54: {  	s22 =	sadd.s32 $0x1, s22;
	p0 =	seq.s32 s1, $0x63  }
0x55: {  	s23 =	sand.u32 @!p0 $0x1, s22  }
0x56: {  	s26 =	sshll.u32 @!p0 s22, $0x8;
	s28 =	simm.s32 @!p0 $0x100;
	s25 =	sshll.u32 @!p0 s23, $0xE  }
0x57: {  	s26 =	sand.u32 @!p0 $0x3FFFFF00, s26;
	s23 =	sadd.s32 @!p0 $0x1, s23;
	s25 =	sadd.s32 @!p0 $0x6400, s25  }
0x58: {  	[tilespmem:s25], [sflag:s23] =	stream.indirect.gather @!p0 [hbm4b:s5+s28], $0x40, s26, s28, $0xb8;
	[tilespmem:$0x16400] =	vst v63  }
0x59: {  	s29 =	simm.s32 $0x0;
	s24 =	sand.u32 $0x1, s1;
	s26 =	sshll.u32 s1, $0x8  }
0x5a: {  	s0 =	sand.u32 $0xF0, s29;
	s28 =	sadd.s32 $0x1, s24;
	s25 =	sadd.s32 s3, s26  }
0x5b: {  	s30 =	sand.u32 $0x3, s29;
	v44 =	vmov s0;
	_ =	swait.ge [sflag:s28], $0x4000;
	s26 =	sand.u32 $0x3F00, s25  }
0x5c: {  	v45 =	vshll.u32 v44, $0x6;
	s23 =	sshll.u32 s24, $0xE;
	[sflag:s28] =	ssyncset.done $0x0;
	p0 =	sne.s32 s26, $0x0  }
0x5d: {  	s31 =	sshll.u32 s30, $0x1;
	v45 =	vor.u32 v1, v45;
	v44 =	vmov s23;
	[sflag:s28] =	ssyncadd.s32 $0xFFFFC000;
	s28 =	sshll.u32 @!p0 s24, $0xE;
	v48 =	vimm.f32 @!p0 $0.0e+00  }
0x5e: {  	s30 =	sshll.u32 s30, $0x4;
	v46 =	vmov s31;
	v45 =	vor.u32 v44, v45;
	[tilespmem:s28+$0x6400] =	vst @!p0 v48  }
0x5f: {  	v46 =	vshll.u32 v46, $0xB;
	v47 =	vor.u32 s30, v45;
	[tilespmem:s28+$0x6410] =	vst @!p0 v48  }
0x60: {  	p1 =	slt.u32 s1, $0x2;
	s0 =	simm.s32 $0x0;
	v53 =	vor.u32 v17, v46;
	v49 =	vor.u32 v0, v47;
	[tilespmem:s28+$0x6420] =	vst @!p0 v48  }
0x61: {  	s29 =	sand.u32 $0x70, s29;
	v54 =	vor.u32 v44, v53;
	s30 =	sadd.s32 @!p1 $0x3, s24;
	[tilespmem:s28+$0x6430] =	vst @!p0 v48;
	s28 =	sand.u32 $0xFFFFFC00, s0  }
0x62: {  	v45 =	vor.u32 s29, v2;
	_ =	swait.ge @!p1 [sflag:s30], $0x4000;
	v48 =	vadd.s32 s28, v54  }
0x63: {  	[sflag:s30] =	ssyncset.done @!p1 $0x0;
	v48 =	vor.u32 v45, v48  }
0x64: {  	[sflag:s30] =	ssyncadd.s32 @!p1 $0xFFFFC000;
	v48 =	vor.u32 v19, v48  }
0x65: {  	v49 =	vld.idx.msk [tilespmem:v49+s17+$0x0], $0xffff;
	v48 =	vor.u32 v20, v48  }
0x66: {  	v50 =	vor.u32 v21, v47  }
0x67: {  	v51 =	vor.u32 v16, v46  }
0x68: {  	v51 =	vor.u32 v44, v51  }
0x69: {  	v51 =	vadd.s32 s28, v51  }
0x6a: {  	v55 =	vor.u32 v45, v51;
	[tilespmem:v48+s18+$0x0] =	vst.idx.msk $0xffff, v49  }
0x6b: {  	v48 =	vor.u32 v22, v55;
	v49 =	vld.idx.msk [tilespmem:v50+s17+$0x0], $0xffff  }
0x6c: {  	v56 =	vor.u32 v23, v47  }
0x6d: {  	v57 =	vor.u32 v15, v46  }
0x6e: {  	v51 =	vor.u32 v44, v57  }
0x6f: {  	v51 =	vadd.s32 s28, v51  }
0x70: {  	v58 =	vor.u32 v45, v51;
	[tilespmem:v48+s18+$0x0] =	vst.idx.msk $0xffff, v49  }
0x71: {  	v48 =	vor.u32 v24, v58;
	v49 =	vld.idx.msk [tilespmem:v56+s17+$0x0], $0xffff  }
0x72: {  	v59 =	vor.u32 v25, v47  }
0x73: {  	v60 =	vor.u32 v14, v46  }
0x74: {  	v51 =	vor.u32 v44, v60  }
0x75: {  	v51 =	vadd.s32 s28, v51  }
0x76: {  	v61 =	vor.u32 v45, v51;
	[tilespmem:v48+s18+$0x0] =	vst.idx.msk $0xffff, v49  }
0x77: {  	v48 =	vor.u32 v26, v61;
	v49 =	vld.idx.msk [tilespmem:v59+s17+$0x0], $0xffff  }
0x78: {  	v62 =	vor.u32 v27, v47  }
0x79: {  	v63 =	vor.u32 v13, v46  }
0x7a: {  	v51 =	vor.u32 v44, v63  }
0x7b: {  	v51 =	vadd.s32 s28, v51  }
0x7c: {  	v53 =	vor.u32 v45, v51;
	[tilespmem:v48+s18+$0x0] =	vst.idx.msk $0xffff, v49  }
0x7d: {  	v48 =	vor.u32 v28, v53;
	v49 =	vld.idx.msk [tilespmem:v62+s17+$0x0], $0xffff  }
0x7e: {  	v54 =	vor.u32 v29, v47  }
0x7f: {  	v55 =	vor.u32 v12, v46  }
0x80: {  	v51 =	vor.u32 v44, v55  }
0x81: {  	v51 =	vadd.s32 s28, v51  }
0x82: {  	v56 =	vor.u32 v45, v51;
	[tilespmem:v48+s18+$0x0] =	vst.idx.msk $0xffff, v49  }
0x83: {  	v48 =	vor.u32 v30, v56;
	v49 =	vld.idx.msk [tilespmem:v54+s17+$0x0], $0xffff  }
0x84: {  	v57 =	vor.u32 v31, v47  }
0x85: {  	v58 =	vor.u32 v11, v46  }
0x86: {  	v51 =	vor.u32 v44, v58  }
0x87: {  	v51 =	vadd.s32 s28, v51  }
0x88: {  	v59 =	vor.u32 v45, v51;
	[tilespmem:v48+s18+$0x0] =	vst.idx.msk $0xffff, v49  }
0x89: {  	v48 =	vor.u32 v32, v59;
	v49 =	vld.idx.msk [tilespmem:v57+s17+$0x0], $0xffff  }
0x8a: {  	v60 =	vor.u32 v33, v47  }
0x8b: {  	v61 =	vor.u32 v10, v46  }
0x8c: {  	v51 =	vor.u32 v44, v61  }
0x8d: {  	v51 =	vadd.s32 s28, v51  }
0x8e: {  	v62 =	vor.u32 v45, v51;
	[tilespmem:v48+s18+$0x0] =	vst.idx.msk $0xffff, v49  }
0x8f: {  	v48 =	vor.u32 v35, v62;
	v49 =	vld.idx.msk [tilespmem:v60+s17+$0x0], $0xffff  }
0x90: {  	v63 =	vor.u32 v34, v47  }
0x91: {  	v54 =	vor.u32 v18, v46  }
0x92: {  	v51 =	vor.u32 v44, v54  }
0x93: {  	v51 =	vadd.s32 s28, v51  }
0x94: {  	v55 =	vor.u32 v45, v51;
	[tilespmem:v48+s18+$0x0] =	vst.idx.msk $0xffff, v49  }
0x95: {  	v48 =	vor.u32 v36, v55;
	v49 =	vld.idx.msk [tilespmem:v63+s17+$0x0], $0xffff  }
0x96: {  	v56 =	vor.u32 v37, v47  }
0x97: {  	v57 =	vor.u32 v9, v46  }
0x98: {  	v51 =	vor.u32 v44, v57  }
0x99: {  	v51 =	vadd.s32 s28, v51  }
0x9a: {  	v58 =	vor.u32 v45, v51;
	[tilespmem:v48+s18+$0x0] =	vst.idx.msk $0xffff, v49  }
0x9b: {  	v48 =	vor.u32 v22, v58;
	v49 =	vld.idx.msk [tilespmem:v56+s17+$0x0], $0xffff  }
0x9c: {  	v59 =	vor.u32 v38, v47  }
0x9d: {  	v60 =	vor.u32 v8, v46  }
0x9e: {  	v51 =	vor.u32 v44, v60  }
0x9f: {  	v51 =	vadd.s32 s28, v51  }
0xa0: {  	v61 =	vor.u32 v45, v51;
	[tilespmem:v48+s18+$0x0] =	vst.idx.msk $0xffff, v49  }
0xa1: {  	v48 =	vor.u32 v24, v61;
	v49 =	vld.idx.msk [tilespmem:v59+s17+$0x0], $0xffff  }
0xa2: {  	v62 =	vor.u32 v39, v47  }
0xa3: {  	v63 =	vor.u32 v7, v46  }
0xa4: {  	v51 =	vor.u32 v44, v63  }
0xa5: {  	v51 =	vadd.s32 s28, v51  }
0xa6: {  	v54 =	vor.u32 v45, v51;
	[tilespmem:v48+s18+$0x0] =	vst.idx.msk $0xffff, v49  }
0xa7: {  	v48 =	vor.u32 v26, v54;
	v49 =	vld.idx.msk [tilespmem:v62+s17+$0x0], $0xffff  }
0xa8: {  	v55 =	vor.u32 v40, v47  }
0xa9: {  	v56 =	vor.u32 v6, v46  }
0xaa: {  	v51 =	vor.u32 v44, v56  }
0xab: {  	v51 =	vadd.s32 s28, v51  }
0xac: {  	v57 =	vor.u32 v45, v51;
	[tilespmem:v48+s18+$0x0] =	vst.idx.msk $0xffff, v49  }
0xad: {  	v48 =	vor.u32 v28, v57;
	v49 =	vld.idx.msk [tilespmem:v55+s17+$0x0], $0xffff  }
0xae: {  	v58 =	vor.u32 v41, v47  }
0xaf: {  	v59 =	vor.u32 v5, v46  }
0xb0: {  	v51 =	vor.u32 v44, v59  }
0xb1: {  	v51 =	vadd.s32 s28, v51  }
0xb2: {  	v60 =	vor.u32 v45, v51;
	[tilespmem:v48+s18+$0x0] =	vst.idx.msk $0xffff, v49  }
0xb3: {  	v48 =	vor.u32 v30, v60;
	v49 =	vld.idx.msk [tilespmem:v58+s17+$0x0], $0xffff  }
0xb4: {  	v61 =	vor.u32 v42, v47  }
0xb5: {  	v62 =	vor.u32 v4, v46  }
0xb6: {  	v51 =	vor.u32 v44, v62  }
0xb7: {  	v51 =	vadd.s32 s28, v51  }
0xb8: {  	v63 =	vor.u32 v45, v51;
	[tilespmem:v48+s18+$0x0] =	vst.idx.msk $0xffff, v49  }
0xb9: {  	v49 =	vor.u32 v32, v63;
	v48 =	vld.idx.msk [tilespmem:v61+s17+$0x0], $0xffff  }
0xba: {  	s29 =	simm.s32 $0x4;
	v47 =	vor.u32 v43, v47  }
0xbb: {  	s31 =	simm.s32 $0x2;
	s1 =	sand.u32 $0xF0, s29;
	s30 =	simm.s32 $0x1  }
.LBB2_3:
0xbc: {  	p0 =	sne.s32 s31, $0x3F;
	v50 =	vmov s1;
	v46 =	vor.u32 v3, v46  }
0xbd: {  	v50 =	vshll.u32 v50, $0x6;
	v46 =	vor.u32 v44, v46  }
0xbe: {  	s1 =	sand.u32 $0x3, s30;
	v50 =	vor.u32 v1, v50;
	[tilespmem:v49+s18+$0x0] =	vst.idx.msk $0xffff, v48;
	v46 =	vadd.s32 s28, v46  }
0xbf: {  	s28 =	sshll.u32 s1, $0x1;
	s1 =	sshll.u32 s1, $0x4;
	v48 =	vor.u32 v44, v50;
	v49 =	vld.idx.msk [tilespmem:v47+s17+$0x0], $0xffff;
	v45 =	vor.u32 v45, v46  }
0xc0: {  	v46 =	vmov s28;
	v47 =	vor.u32 s1, v48;
	v48 =	vor.u32 v35, v45  }
0xc1: {  	v46 =	vshll.u32 v46, $0xB;
	v50 =	vor.u32 v0, v47  }
0xc2: {  	s1 =	sshll.u32 s30, $0x5;
	s30 =	smov.u32 s31;
	v45 =	vor.u32 v17, v46  }
0xc3: {  	s0 =	sand.u32 $0x70, s29;
	s28 =	sand.u32 $0xFFFFFC00, s1;
	v51 =	vor.u32 v44, v45  }
0xc4: {  	v45 =	vor.u32 s0, v2;
	v51 =	vadd.s32 s28, v51  }
0xc5: {  	v51 =	vor.u32 v45, v51;
	[tilespmem:v48+s18+$0x0] =	vst.idx.msk $0xffff, v49  }
0xc6: {  	v49 =	vor.u32 v19, v51;
	v48 =	vld.idx.msk [tilespmem:v50+s17+$0x0], $0xffff  }
0xc7: {  	v49 =	vor.u32 v20, v49  }
0xc8: {  	v50 =	vor.u32 v21, v47;
	_ =	sdelay $0x1  }
0xc9: {  	v51 =	vor.u32 v16, v46  }
0xca: {  	v51 =	vor.u32 v44, v51  }
0xcb: {  	[tilespmem:v49+s18+$0x0] =	vst.idx.msk $0xffff, v48;
	v48 =	vadd.s32 s28, v51  }
0xcc: {  	v49 =	vld.idx.msk [tilespmem:v50+s17+$0x0], $0xffff;
	v48 =	vor.u32 v45, v48  }
0xcd: {  	v48 =	vor.u32 v22, v48  }
0xce: {  	v50 =	vor.u32 v23, v47;
	_ =	sdelay $0x1  }
0xcf: {  	v51 =	vor.u32 v15, v46  }
0xd0: {  	v51 =	vor.u32 v44, v51  }
0xd1: {  	[tilespmem:v48+s18+$0x0] =	vst.idx.msk $0xffff, v49;
	v48 =	vadd.s32 s28, v51  }
0xd2: {  	v49 =	vld.idx.msk [tilespmem:v50+s17+$0x0], $0xffff;
	v48 =	vor.u32 v45, v48  }
0xd3: {  	v48 =	vor.u32 v24, v48  }
0xd4: {  	v50 =	vor.u32 v25, v47;
	_ =	sdelay $0x1  }
0xd5: {  	v51 =	vor.u32 v14, v46  }
0xd6: {  	v51 =	vor.u32 v44, v51  }
0xd7: {  	[tilespmem:v48+s18+$0x0] =	vst.idx.msk $0xffff, v49;
	v48 =	vadd.s32 s28, v51  }
0xd8: {  	v49 =	vld.idx.msk [tilespmem:v50+s17+$0x0], $0xffff;
	v48 =	vor.u32 v45, v48  }
0xd9: {  	v48 =	vor.u32 v26, v48  }
0xda: {  	v50 =	vor.u32 v27, v47;
	_ =	sdelay $0x1  }
0xdb: {  	v51 =	vor.u32 v13, v46  }
0xdc: {  	v51 =	vor.u32 v44, v51  }
0xdd: {  	[tilespmem:v48+s18+$0x0] =	vst.idx.msk $0xffff, v49;
	v48 =	vadd.s32 s28, v51  }
0xde: {  	v49 =	vld.idx.msk [tilespmem:v50+s17+$0x0], $0xffff;
	v48 =	vor.u32 v45, v48  }
0xdf: {  	v48 =	vor.u32 v28, v48  }
0xe0: {  	v50 =	vor.u32 v29, v47;
	_ =	sdelay $0x1  }
0xe1: {  	v51 =	vor.u32 v12, v46  }
0xe2: {  	v51 =	vor.u32 v44, v51  }
0xe3: {  	[tilespmem:v48+s18+$0x0] =	vst.idx.msk $0xffff, v49;
	v48 =	vadd.s32 s28, v51  }
0xe4: {  	v49 =	vld.idx.msk [tilespmem:v50+s17+$0x0], $0xffff;
	v48 =	vor.u32 v45, v48  }
0xe5: {  	v48 =	vor.u32 v30, v48  }
0xe6: {  	v50 =	vor.u32 v31, v47;
	_ =	sdelay $0x1  }
0xe7: {  	v51 =	vor.u32 v11, v46  }
0xe8: {  	v51 =	vor.u32 v44, v51  }
0xe9: {  	[tilespmem:v48+s18+$0x0] =	vst.idx.msk $0xffff, v49;
	v48 =	vadd.s32 s28, v51  }
0xea: {  	v49 =	vld.idx.msk [tilespmem:v50+s17+$0x0], $0xffff;
	v48 =	vor.u32 v45, v48  }
0xeb: {  	v48 =	vor.u32 v32, v48  }
0xec: {  	v50 =	vor.u32 v33, v47;
	_ =	sdelay $0x1  }
0xed: {  	v51 =	vor.u32 v10, v46  }
0xee: {  	v51 =	vor.u32 v44, v51  }
0xef: {  	[tilespmem:v48+s18+$0x0] =	vst.idx.msk $0xffff, v49;
	v48 =	vadd.s32 s28, v51  }
0xf0: {  	v49 =	vld.idx.msk [tilespmem:v50+s17+$0x0], $0xffff;
	v48 =	vor.u32 v45, v48  }
0xf1: {  	v48 =	vor.u32 v35, v48  }
0xf2: {  	v50 =	vor.u32 v34, v47;
	_ =	sdelay $0x1  }
0xf3: {  	v51 =	vor.u32 v18, v46  }
0xf4: {  	v51 =	vor.u32 v44, v51  }
0xf5: {  	[tilespmem:v48+s18+$0x0] =	vst.idx.msk $0xffff, v49;
	v48 =	vadd.s32 s28, v51  }
0xf6: {  	v49 =	vld.idx.msk [tilespmem:v50+s17+$0x0], $0xffff;
	v48 =	vor.u32 v45, v48  }
0xf7: {  	v48 =	vor.u32 v36, v48  }
0xf8: {  	v50 =	vor.u32 v37, v47;
	_ =	sdelay $0x1  }
0xf9: {  	v51 =	vor.u32 v9, v46  }
0xfa: {  	v51 =	vor.u32 v44, v51  }
0xfb: {  	[tilespmem:v48+s18+$0x0] =	vst.idx.msk $0xffff, v49;
	v48 =	vadd.s32 s28, v51  }
0xfc: {  	v49 =	vld.idx.msk [tilespmem:v50+s17+$0x0], $0xffff;
	v48 =	vor.u32 v45, v48  }
0xfd: {  	v48 =	vor.u32 v22, v48  }
0xfe: {  	v50 =	vor.u32 v38, v47;
	_ =	sdelay $0x1  }
0xff: {  	v51 =	vor.u32 v8, v46  }
0x100: {  	v51 =	vor.u32 v44, v51  }
0x101: {  	[tilespmem:v48+s18+$0x0] =	vst.idx.msk $0xffff, v49;
	v48 =	vadd.s32 s28, v51  }
0x102: {  	v49 =	vld.idx.msk [tilespmem:v50+s17+$0x0], $0xffff;
	v48 =	vor.u32 v45, v48  }
0x103: {  	v48 =	vor.u32 v24, v48  }
0x104: {  	v50 =	vor.u32 v39, v47;
	_ =	sdelay $0x1  }
0x105: {  	v51 =	vor.u32 v7, v46  }
0x106: {  	v51 =	vor.u32 v44, v51  }
0x107: {  	[tilespmem:v48+s18+$0x0] =	vst.idx.msk $0xffff, v49;
	v48 =	vadd.s32 s28, v51  }
0x108: {  	v49 =	vld.idx.msk [tilespmem:v50+s17+$0x0], $0xffff;
	v48 =	vor.u32 v45, v48  }
0x109: {  	v48 =	vor.u32 v26, v48  }
0x10a: {  	v50 =	vor.u32 v40, v47;
	_ =	sdelay $0x1  }
0x10b: {  	v51 =	vor.u32 v6, v46  }
0x10c: {  	v51 =	vor.u32 v44, v51  }
0x10d: {  	[tilespmem:v48+s18+$0x0] =	vst.idx.msk $0xffff, v49;
	v48 =	vadd.s32 s28, v51  }
0x10e: {  	v49 =	vld.idx.msk [tilespmem:v50+s17+$0x0], $0xffff;
	v48 =	vor.u32 v45, v48  }
0x10f: {  	v48 =	vor.u32 v28, v48  }
0x110: {  	v50 =	vor.u32 v41, v47;
	_ =	sdelay $0x1  }
0x111: {  	v51 =	vor.u32 v5, v46  }
0x112: {  	v51 =	vor.u32 v44, v51  }
0x113: {  	[tilespmem:v48+s18+$0x0] =	vst.idx.msk $0xffff, v49;
	v48 =	vadd.s32 s28, v51  }
0x114: {  	v49 =	vld.idx.msk [tilespmem:v50+s17+$0x0], $0xffff;
	v48 =	vor.u32 v45, v48  }
0x115: {  	v48 =	vor.u32 v30, v48  }
0x116: {  	v50 =	vor.u32 v42, v47;
	_ =	sdelay $0x1  }
0x117: {  	v51 =	vor.u32 v4, v46  }
0x118: {  	v51 =	vor.u32 v44, v51  }
.Ltmp0:
0x119: {  	[tilespmem:v48+s18+$0x0] =	vst.idx.msk $0xffff, v49;
	v49 =	vadd.s32 s28, v51;
	(pc) =	sbr.rel @p0 .LBB2_3-.Ltmp0, $4  }
0x11a: {  	v48 =	vld.idx.msk [tilespmem:v50+s17+$0x0], $0xffff;
	v49 =	vor.u32 v45, v49  }
0x11b: {  	v49 =	vor.u32 v32, v49  }
0x11c: {  	s29 =	sadd.s32 $0x4, s29;
	v47 =	vor.u32 v43, v47  }
0x11d: {  	s31 =	sadd.s32 $0x1, s31;
	s1 =	sand.u32 $0xF0, s29  }
0x11e: {  	_ = 	snop  }
0x11f: {  	v50 =	vmov s1;
	v46 =	vor.u32 v3, v46  }
0x120: {  	s0 =	sand.u32 $0x3, s30;
	v50 =	vshll.u32 v50, $0x6;
	v46 =	vor.u32 v44, v46  }
0x121: {  	v50 =	vor.u32 v1, v50;
	v46 =	vadd.s32 s28, v46;
	s28 =	sshll.u32 s0, $0x1  }
0x122: {  	[tilespmem:v49+s18+$0x0] =	vst.idx.msk $0xffff, v48;
	s0 =	sshll.u32 s0, $0x4;
	v52 =	vor.u32 v44, v50;
	v45 =	vor.u32 v45, v46;
	v53 =	vmov s28  }
0x123: {  	v47 =	vld.idx.msk [tilespmem:v47+s17+$0x0], $0xffff;
	v48 =	vor.u32 s0, v52;
	v45 =	vor.u32 v35, v45;
	v46 =	vshll.u32 v53, $0xB  }
0x124: {  	s30 =	sshll.u32 s30, $0x5;
	v54 =	vor.u32 v0, v48;
	v55 =	vor.u32 v17, v46  }
0x125: {  	s31 =	sand.u32 $0x70, s29;
	s0 =	sand.u32 $0xFFFFFC00, s30;
	v50 =	vor.u32 v44, v55  }
0x126: {  	v51 =	vor.u32 s31, v2;
	v50 =	vadd.s32 s0, v50  }
0x127: {  	v50 =	vor.u32 v51, v50  }
0x128: {  	[tilespmem:v45+s18+$0x0] =	vst.idx.msk $0xffff, v47;
	v56 =	vor.u32 v19, v50  }
0x129: {  	v47 =	vld.idx.msk [tilespmem:v54+s17+$0x0], $0xffff;
	v45 =	vor.u32 v20, v56  }
0x12a: {  	v57 =	vor.u32 v21, v48  }
0x12b: {  	v58 =	vor.u32 v16, v46  }
0x12c: {  	v50 =	vor.u32 v44, v58  }
0x12d: {  	v50 =	vadd.s32 s0, v50  }
0x12e: {  	v59 =	vor.u32 v51, v50;
	[tilespmem:v45+s18+$0x0] =	vst.idx.msk $0xffff, v47  }
0x12f: {  	v45 =	vor.u32 v22, v59;
	v47 =	vld.idx.msk [tilespmem:v57+s17+$0x0], $0xffff  }
0x130: {  	v60 =	vor.u32 v23, v48  }
0x131: {  	v61 =	vor.u32 v15, v46  }
0x132: {  	v50 =	vor.u32 v44, v61  }
0x133: {  	v50 =	vadd.s32 s0, v50  }
0x134: {  	v62 =	vor.u32 v51, v50;
	[tilespmem:v45+s18+$0x0] =	vst.idx.msk $0xffff, v47  }
0x135: {  	v45 =	vor.u32 v24, v62;
	v47 =	vld.idx.msk [tilespmem:v60+s17+$0x0], $0xffff  }
0x136: {  	v63 =	vor.u32 v25, v48  }
0x137: {  	v52 =	vor.u32 v14, v46  }
0x138: {  	v50 =	vor.u32 v44, v52  }
0x139: {  	v50 =	vadd.s32 s0, v50  }
0x13a: {  	v53 =	vor.u32 v51, v50;
	[tilespmem:v45+s18+$0x0] =	vst.idx.msk $0xffff, v47  }
0x13b: {  	v45 =	vor.u32 v26, v53;
	v47 =	vld.idx.msk [tilespmem:v63+s17+$0x0], $0xffff  }
0x13c: {  	v54 =	vor.u32 v27, v48  }
0x13d: {  	v55 =	vor.u32 v13, v46  }
0x13e: {  	v50 =	vor.u32 v44, v55  }
0x13f: {  	v50 =	vadd.s32 s0, v50  }
0x140: {  	v56 =	vor.u32 v51, v50;
	[tilespmem:v45+s18+$0x0] =	vst.idx.msk $0xffff, v47  }
0x141: {  	v45 =	vor.u32 v28, v56;
	v47 =	vld.idx.msk [tilespmem:v54+s17+$0x0], $0xffff  }
0x142: {  	v57 =	vor.u32 v29, v48  }
0x143: {  	v58 =	vor.u32 v12, v46  }
0x144: {  	v50 =	vor.u32 v44, v58  }
0x145: {  	v50 =	vadd.s32 s0, v50  }
0x146: {  	v59 =	vor.u32 v51, v50;
	[tilespmem:v45+s18+$0x0] =	vst.idx.msk $0xffff, v47  }
0x147: {  	v45 =	vor.u32 v30, v59;
	v47 =	vld.idx.msk [tilespmem:v57+s17+$0x0], $0xffff  }
0x148: {  	v60 =	vor.u32 v31, v48  }
0x149: {  	v61 =	vor.u32 v11, v46  }
0x14a: {  	v50 =	vor.u32 v44, v61  }
0x14b: {  	v50 =	vadd.s32 s0, v50  }
0x14c: {  	v62 =	vor.u32 v51, v50;
	[tilespmem:v45+s18+$0x0] =	vst.idx.msk $0xffff, v47  }
0x14d: {  	v45 =	vor.u32 v32, v62;
	v47 =	vld.idx.msk [tilespmem:v60+s17+$0x0], $0xffff  }
0x14e: {  	v63 =	vor.u32 v33, v48  }
0x14f: {  	v52 =	vor.u32 v10, v46  }
0x150: {  	v50 =	vor.u32 v44, v52  }
0x151: {  	v50 =	vadd.s32 s0, v50  }
0x152: {  	v53 =	vor.u32 v51, v50;
	[tilespmem:v45+s18+$0x0] =	vst.idx.msk $0xffff, v47  }
0x153: {  	v45 =	vor.u32 v35, v53;
	v47 =	vld.idx.msk [tilespmem:v63+s17+$0x0], $0xffff  }
0x154: {  	v54 =	vor.u32 v34, v48  }
0x155: {  	v55 =	vor.u32 v18, v46  }
0x156: {  	v50 =	vor.u32 v44, v55  }
0x157: {  	v50 =	vadd.s32 s0, v50  }
0x158: {  	v56 =	vor.u32 v51, v50;
	[tilespmem:v45+s18+$0x0] =	vst.idx.msk $0xffff, v47  }
0x159: {  	v45 =	vor.u32 v36, v56;
	v47 =	vld.idx.msk [tilespmem:v54+s17+$0x0], $0xffff  }
0x15a: {  	v57 =	vor.u32 v37, v48  }
0x15b: {  	v58 =	vor.u32 v9, v46  }
0x15c: {  	v50 =	vor.u32 v44, v58  }
0x15d: {  	v50 =	vadd.s32 s0, v50  }
0x15e: {  	v59 =	vor.u32 v51, v50;
	[tilespmem:v45+s18+$0x0] =	vst.idx.msk $0xffff, v47  }
0x15f: {  	v45 =	vor.u32 v22, v59;
	v47 =	vld.idx.msk [tilespmem:v57+s17+$0x0], $0xffff  }
0x160: {  	v60 =	vor.u32 v38, v48  }
0x161: {  	v61 =	vor.u32 v8, v46  }
0x162: {  	v50 =	vor.u32 v44, v61  }
0x163: {  	v50 =	vadd.s32 s0, v50  }
0x164: {  	v62 =	vor.u32 v51, v50;
	[tilespmem:v45+s18+$0x0] =	vst.idx.msk $0xffff, v47  }
0x165: {  	v45 =	vor.u32 v24, v62;
	v47 =	vld.idx.msk [tilespmem:v60+s17+$0x0], $0xffff  }
0x166: {  	v63 =	vor.u32 v39, v48  }
0x167: {  	v52 =	vor.u32 v7, v46  }
0x168: {  	v50 =	vor.u32 v44, v52  }
0x169: {  	v50 =	vadd.s32 s0, v50  }
0x16a: {  	v53 =	vor.u32 v51, v50;
	[tilespmem:v45+s18+$0x0] =	vst.idx.msk $0xffff, v47  }
0x16b: {  	v45 =	vor.u32 v26, v53;
	v47 =	vld.idx.msk [tilespmem:v63+s17+$0x0], $0xffff  }
0x16c: {  	v54 =	vor.u32 v40, v48  }
0x16d: {  	v55 =	vor.u32 v6, v46  }
0x16e: {  	v50 =	vor.u32 v44, v55  }
0x16f: {  	v50 =	vadd.s32 s0, v50  }
0x170: {  	v56 =	vor.u32 v51, v50;
	[tilespmem:v45+s18+$0x0] =	vst.idx.msk $0xffff, v47  }
0x171: {  	v45 =	vor.u32 v28, v56;
	v47 =	vld.idx.msk [tilespmem:v54+s17+$0x0], $0xffff  }
0x172: {  	v57 =	vor.u32 v41, v48  }
0x173: {  	v58 =	vor.u32 v5, v46  }
0x174: {  	v50 =	vor.u32 v44, v58  }
0x175: {  	v50 =	vadd.s32 s0, v50  }
0x176: {  	v59 =	vor.u32 v51, v50;
	[tilespmem:v45+s18+$0x0] =	vst.idx.msk $0xffff, v47  }
0x177: {  	v45 =	vor.u32 v30, v59;
	v47 =	vld.idx.msk [tilespmem:v57+s17+$0x0], $0xffff  }
0x178: {  	v60 =	vor.u32 v42, v48  }
0x179: {  	v61 =	vor.u32 v4, v46  }
0x17a: {  	v50 =	vor.u32 v44, v61  }
0x17b: {  	v50 =	vadd.s32 s0, v50  }
0x17c: {  	v62 =	vor.u32 v51, v50;
	[tilespmem:v45+s18+$0x0] =	vst.idx.msk $0xffff, v47  }
0x17d: {  	v45 =	vor.u32 v32, v62;
	v47 =	vld.idx.msk [tilespmem:v60+s17+$0x0], $0xffff  }
0x17e: {  	v48 =	vor.u32 v43, v48  }
0x17f: {  	v46 =	vor.u32 v3, v46  }
0x180: {  	v63 =	vor.u32 v44, v46  }
0x181: {  	v44 =	vadd.s32 s0, v63  }
0x182: {  	v44 =	vor.u32 v51, v44;
	[tilespmem:v45+s18+$0x0] =	vst.idx.msk $0xffff, v47  }
0x183: {  	v44 =	vor.u32 v35, v44;
	v45 =	vld.idx.msk [tilespmem:v48+s17+$0x0], $0xffff;
	_ =	sdelay $0x1  }
0x184: {  	s25 =	sshll.u32 s25, $0x3  }
0x185: {  	s0 =	sand.u32 $0xFFE0000, s25  }
0x186: {  	s0 =	sor.u32 s26, s0  }
0x187: {  	s1 =	sadd.s32 $0x3, s24;
	s29 =	sadd.s32 $0xE400, s23;
	s28 =	sadd.s32 s2, s0;
	[tilespmem:v44+s18+$0x0] =	vst.idx.msk $0xffff, v45  }
0x188: {  	[hbm4b:s28+s4] =	stream.linear.scatter [tilespmem:s29], [sflag:s1], $0x800, $0x38;
	[tilespmem:$0x16400] =	vst v63  }
0x189: {  	s31 =	sadd.s32 $0xEC00, s23;
	s30 =	sadd.s32 s0, s7  }
0x18a: {  	[hbm4b:s30+s4] =	stream.linear.scatter [tilespmem:s31], [sflag:s1], $0x800, $0x38;
	[tilespmem:$0x16400] =	vst v63  }
0x18b: {  	s26 =	sadd.s32 $0xF400, s23;
	s25 =	sadd.s32 s0, s8  }
0x18c: {  	[hbm4b:s25+s4] =	stream.linear.scatter [tilespmem:s26], [sflag:s1], $0x800, $0x38;
	[tilespmem:$0x16400] =	vst v63  }
0x18d: {  	s28 =	sadd.s32 s0, s9;
	s29 =	sadd.s32 $0xFC00, s23  }
0x18e: {  	[hbm4b:s28+s4] =	stream.linear.scatter [tilespmem:s29], [sflag:s1], $0x800, $0x38;
	[tilespmem:$0x16400] =	vst v63  }
0x18f: {  	s30 =	sadd.s32 s0, s10;
	s31 =	sor.u32 $0x10400, s23  }
0x190: {  	[hbm4b:s30+s4] =	stream.linear.scatter [tilespmem:s31], [sflag:s1], $0x800, $0x38;
	[tilespmem:$0x16400] =	vst v63  }
0x191: {  	p0 =	sne.s32 s22, $0x64;
	s26 =	sadd.s32 s0, s11;
	s28 =	sor.u32 $0x10C00, s23  }
0x192: {  	[hbm4b:s26+s4] =	stream.linear.scatter [tilespmem:s28], [sflag:s1], $0x800, $0x38;
	[tilespmem:$0x16400] =	vst v63  }
.Ltmp1:
0x193: {  	_ = 	snop;
	(pc) =	sbr.rel @p0 .LBB2_2-.Ltmp1, $4  }
0x194: {  	s29 =	sadd.s32 s0, s12;
	s30 =	sor.u32 $0x11400, s23  }
0x195: {  	[hbm4b:s29+s4] =	stream.linear.scatter [tilespmem:s30], [sflag:s1], $0x800, $0x38;
	[tilespmem:$0x16400] =	vst v63  }
0x196: {  	s0 =	sadd.s32 s0, s13;
	s31 =	sor.u32 $0x11C00, s23  }
0x197: {  	[hbm4b:s0+s4] =	stream.linear.scatter [tilespmem:s31], [sflag:s1], $0x800, $0x38;
	[tilespmem:$0x16400] =	vst v63  }
0x198: {  	s21 =	sadd.s32 $0x1, s21  }
0x199: {  	_ =	swait.ge [sflag:s19], $0x4000;
	p0 =	sne.s32 s21, s14  }
.Ltmp2:
0x19a: {  	[sflag:s19] =	ssyncset.done $0x0;
	(pc) =	sbr.rel @p0 .LBB2_1-.Ltmp2, $4  }
0x19b: {  	[sflag:s19] =	ssyncadd.s32 $0xFFFFC000  }
0x19c: {  	_ =	swait.ge [sflag:s20], $0x4000  }
0x19d: {  	[sflag:s20] =	ssyncset.done $0x0  }
0x19e: {  	[sflag:s20] =	ssyncadd.s32 $0xFFFFC000  }
0x19f: {  	_ =	sfence.sel $0x180000  }
0x1a0: {  	[bflag:$0x0] =	sbarrier.arrive $0xFFFF  }
0x1a1: {  	_ =	strace $0x90000047  }
0x1a2: {  	s0 =	stileid.u32;
	[bflag:$0x2] =	sbarrier.arrive $0xFFFF  }
0x1a3: {  	p0 =	sne.s32 s0, $0x0;
	s0 =	rddreg [dreg:$0x2]  }
0x1a4: {  	s0 =	sadd.s32 @!p0 $0x100000, s0  }
0x1a5: {  	[sflag:s0] =	ssyncadd.tile.s32 @!p0 $0x1;
	_ =	shalt  }
.Lfunc_end2:
_tile_overlayer_lowered:
.L_overlay_start_2:
0x1a6: {  	(tag) =	ssettag $0x2  }
0x1a7: {  	s0 =	rddreg [dreg:$0x0];
	s2 =	stileid.u32  }
0x1a8: {  	s1 =	rddreg [dreg:$0x1];
	p0 =	sne.s32 s2, $0x0  }
0x1a9: {  	s3 =	rddreg [dreg:$0x2];
	[bflag:$0x3] =	sbarrier.arrive $0xFFFF;
	s2 =	simm.s32 @!p0 $0x1C05  }
0x1aa: {  	[timem:s3], [sflag:s2] =	dma.local @!p0 [hbm:s0], s1  }
0x1ab: {  	s0 =	simm.s32 @!p0 $0x5  }
0x1ac: {  	_ =	swait.ge @!p0 [sflag:s0], s1  }
0x1ad: {  	s1 =	ssub.s32 @!p0 $0x0, s1;
	[sflag:s0] =	ssyncset.done @!p0 $0x0  }
0x1ae: {  	[sflag:s0] =	ssyncadd.s32 @!p0 s1  }
0x1af: {  	[bflag:$0x3] =	sbarrier.arrive $0xFFFF  }
0x1b0: {  	_ =	shalt  }

</sc_bundles>
